<compile_context>
chip_gen: v7x
topology: tpu7x:2x2x1
jax: 0.10.2.dev20260603
libtpu: 0.0.44.dev20260713+nightly
codegen_flags: <defaults>
</compile_context>

<pallas_src>
import functools

import jax
import jax.numpy as jnp
from jax import lax
from jax.experimental import pallas as pl
from jax.experimental.pallas import tpu as pltpu
from jax.experimental.pallas import tpu_sc as plsc

NUM_GENES = 16384
NUM_SELECTED = 1024
TOURNAMENT_SIZE = 32
DIM = 512
NUM_CHILDREN = NUM_GENES - NUM_SELECTED



@functools.cache
def _build_constants():
    kperm, klerp = jax.random.split(jax.random.key(42))
    rp = jax.random.normal(
        kperm, (NUM_CHILDREN, NUM_SELECTED), dtype=jnp.float32
    )
    tourn_ids = jnp.argsort(rp, axis=-1)[:, :TOURNAMENT_SIZE].astype(jnp.int32)
    noise = jax.random.normal(klerp, (NUM_CHILDREN, DIM), dtype=jnp.float32)
    order = jnp.argsort(-tourn_ids, axis=-1).astype(jnp.int32)
    dsort = jnp.take_along_axis(tourn_ids, order, axis=-1)
    d1 = dsort[:, :1]
    d2 = dsort[:, 1:2]
    pi1 = order[:, :1]
    return (
        jax.device_put(dsort),
        jax.device_put(order),
        jax.device_put(d1),
        jax.device_put(d2),
        jax.device_put(pi1),
        jax.device_put(noise),
    )



_ROWS_PER_BLOCK = 512


def _children_body(
    g_ref, d1_ref, d2_ref, pi1_ref, d_ref, pi_ref, parents_ref, noise_ref,
    temp_ref, out_ref,
):
    b = _ROWS_PER_BLOCK
    big = jnp.int32(TOURNAMENT_SIZE * 2)
    g = g_ref[...]
    cols = lax.broadcasted_iota(jnp.int32, (1, NUM_SELECTED), 1)
    d1 = d1_ref[...]
    d2 = d2_ref[...]
    m1 = jnp.max(jnp.where(cols == d1, g, -1), axis=1, keepdims=True)
    m2 = jnp.max(jnp.where(cols == d2, g, -1), axis=1, keepdims=True)
    pi1 = pi1_ref[...]
    d = d_ref[...]
    piv = pi_ref[...]
    c1 = jnp.where(d >= m1, piv, big)
    t1 = jnp.min(c1, axis=1, keepdims=True)
    g2 = jnp.where(t1 == pi1, m2, m1)
    c2 = jnp.where((d >= g2) & (piv != t1), piv, big)
    t2 = jnp.min(c2, axis=1, keepdims=True)

    lanes = lax.broadcasted_iota(jnp.int32, (b, TOURNAMENT_SIZE), 1)
    oh1 = (lanes == t1).astype(jnp.float32)
    oh2 = (lanes == t2).astype(jnp.float32)
    parents = parents_ref[...]
    p1 = jnp.dot(oh1, parents, preferred_element_type=jnp.float32,
                 precision=lax.Precision.HIGHEST)
    p2 = jnp.dot(oh2, parents, preferred_element_type=jnp.float32,
                 precision=lax.Precision.HIGHEST)

    temp = temp_ref[0, 0]
    x = noise_ref[...] / temp
    w = 1.0 / (1.0 + jnp.exp(-x))
    ch = p1 + (p2 - p1) * w
    n = jnp.sqrt(jnp.sum(ch * ch, axis=1, keepdims=True))
    out_ref[...] = ch / jnp.maximum(n, 1e-12)


def _children(g, d1, d2, pi1, dsort, order, parents, noise, temperature):
    grid = NUM_CHILDREN // _ROWS_PER_BLOCK
    b = _ROWS_PER_BLOCK
    return pl.pallas_call(
        _children_body,
        grid=(grid,),
        in_specs=[
            pl.BlockSpec((1, NUM_SELECTED), lambda i: (0, 0)),
            pl.BlockSpec((b, 1), lambda i: (i, 0)),
            pl.BlockSpec((b, 1), lambda i: (i, 0)),
            pl.BlockSpec((b, 1), lambda i: (i, 0)),
            pl.BlockSpec((b, TOURNAMENT_SIZE), lambda i: (i, 0)),
            pl.BlockSpec((b, TOURNAMENT_SIZE), lambda i: (i, 0)),
            pl.BlockSpec((TOURNAMENT_SIZE, DIM), lambda i: (0, 0)),
            pl.BlockSpec((b, DIM), lambda i: (i, 0)),
            pl.BlockSpec(memory_space=pltpu.SMEM),
        ],
        out_specs=pl.BlockSpec((b, DIM), lambda i: (i, 0)),
        out_shape=jax.ShapeDtypeStruct((NUM_CHILDREN, DIM), jnp.float32),
    )(g, d1, d2, pi1, dsort, order, parents, noise, temperature)



_RANK_BLOCK = 1024
_NCHUNK = NUM_GENES // _RANK_BLOCK


def _rank_body(kcol_ref, krows_ref, out_ref):
    pid = pl.program_id(0)
    ki = kcol_ref[...]
    ones = jnp.ones((_RANK_BLOCK, 1), jnp.float32)
    acc = jnp.zeros((_RANK_BLOCK, 1), jnp.float32)
    for c in range(_NCHUNK):
        kj = krows_ref[c]
        bias = jnp.where(jnp.int32(c) < pid, jnp.int32(1), jnp.int32(0))
        x = (kj < ki + bias).astype(jnp.float32)
        acc = acc + jnp.dot(x, ones, preferred_element_type=jnp.float32)
    kd = krows_ref[pid]
    tri = (
        lax.broadcasted_iota(jnp.int32, (1, _RANK_BLOCK), 1)
        < lax.broadcasted_iota(jnp.int32, (_RANK_BLOCK, 1), 0)
    )
    eqe = ((kd == ki) & tri).astype(jnp.float32)
    acc = acc + jnp.dot(eqe, ones, preferred_element_type=jnp.float32)
    out_ref[...] = acc.astype(jnp.int32)


def _ranks(keys):
    kcol = keys.reshape(NUM_GENES, 1)
    krows = keys.reshape(_NCHUNK, 1, _RANK_BLOCK)
    return pl.pallas_call(
        _rank_body,
        grid=(_NCHUNK,),
        in_specs=[
            pl.BlockSpec((_RANK_BLOCK, 1), lambda i: (i, 0)),
            pl.BlockSpec((_NCHUNK, 1, _RANK_BLOCK), lambda i: (0, 0, 0)),
        ],
        out_specs=pl.BlockSpec((_RANK_BLOCK, 1), lambda i: (i, 0)),
        out_shape=jax.ShapeDtypeStruct((NUM_GENES, 1), jnp.int32),
    )(kcol, krows)


def _make_sc_scatter():
    info = plsc.get_sparse_core_info()
    nw = info.num_cores * info.num_subcores
    rows_per_w = 128 // nw
    mesh = plsc.VectorSubcoreMesh(core_axis_name="c", subcore_axis_name="s")

    @functools.partial(
        pl.kernel,
        mesh=mesh,
        out_type=[
            jax.ShapeDtypeStruct((NUM_GENES,), jnp.int32),
            jax.ShapeDtypeStruct((NUM_GENES,), jnp.int32),
        ],
        scratch_types=[
            pltpu.VMEM((rows_per_w, 128), jnp.int32),
            pltpu.VMEM((rows_per_w, 128), jnp.int32),
            pltpu.VMEM((rows_per_w, 128), jnp.int32),
            pltpu.SemaphoreType.DMA,
        ],
    )
    def scatter(keys_hbm, iota_hbm, ranks_hbm, okeys_hbm, oids_hbm,
                kv, iv, rv, sem):
        wid = lax.axis_index("s") * info.num_cores + lax.axis_index("c")
        r0 = wid * rows_per_w
        pltpu.sync_copy(keys_hbm.at[pl.ds(r0, rows_per_w)], kv)
        pltpu.sync_copy(iota_hbm.at[pl.ds(r0, rows_per_w)], iv)
        pltpu.sync_copy(ranks_hbm.at[pl.ds(r0, rows_per_w)], rv)
        for j in range(rows_per_w):
            pltpu.async_copy(kv.at[j], okeys_hbm.at[rv.at[j]], sem).wait()
            pltpu.async_copy(iv.at[j], oids_hbm.at[rv.at[j]], sem).wait()

    return scatter


_SC_SCATTER = _make_sc_scatter()



def _make_sc_gather():
    info = plsc.get_sparse_core_info()
    nw = info.num_cores * info.num_subcores
    b_per_w = NUM_SELECTED // nw
    mesh = plsc.VectorSubcoreMesh(core_axis_name="c", subcore_axis_name="s")

    @functools.partial(
        pl.kernel,
        mesh=mesh,
        out_type=jax.ShapeDtypeStruct((NUM_SELECTED, DIM), jnp.float32),
        scratch_types=[
            pltpu.VMEM((b_per_w,), jnp.int32),
            pltpu.VMEM((b_per_w, DIM), jnp.float32),
            pltpu.SemaphoreType.DMA,
        ],
    )
    def gather(genes_hbm, idx_hbm, out_hbm, idx_v, rows_v, sem):
        wid = lax.axis_index("s") * info.num_cores + lax.axis_index("c")
        base = wid * b_per_w
        pltpu.sync_copy(idx_hbm.at[pl.ds(base, b_per_w)], idx_v)
        pltpu.async_copy(genes_hbm.at[idx_v], rows_v, sem).wait()
        pltpu.sync_copy(rows_v, out_hbm.at[pl.ds(base, b_per_w)])

    return gather


_SC_GATHER = _make_sc_gather()



def _sortable_key(f):
    u = lax.bitcast_convert_type(f, jnp.int32)
    return jnp.where(u < 0, u ^ jnp.int32(0x7FFFFFFF), u)


def kernel(fitnesses, genes, temperature):
    dsort, order, d1, d2, pi1, noise = _build_constants()
    keys = _sortable_key(fitnesses)
    ranks = _ranks(keys)[:, 0]
    sorted_keys, sorted_ids = _SC_SCATTER(
        keys.reshape(128, 128),
        lax.iota(jnp.int32, NUM_GENES).reshape(128, 128),
        ranks.reshape(128, 128),
    )

    ids_top = sorted_ids[NUM_CHILDREN:]
    keys_bot = sorted_keys[:NUM_SELECTED]

    idx = lax.iota(jnp.int32, NUM_SELECTED)
    first = jnp.concatenate(
        [jnp.ones((1,), jnp.bool_), keys_bot[1:] != keys_bot[:-1]]
    )
    g = lax.cummax(jnp.where(first, idx, 0))

    selected = _SC_GATHER(genes, ids_top)
    parents = selected[:TOURNAMENT_SIZE]

    temp = jnp.asarray(temperature, jnp.float32).reshape(1, 1)
    children = _children(
        g.reshape(1, NUM_SELECTED), d1, d2, pi1, dsort, order, parents, noise,
        temp,
    )
    return jnp.concatenate([children, selected], axis=0)

# --- scband reference (transcript-rebuilt; emitter-appended) ---
"""Pipeline reference for scband-latent-gene-pool-2525440770611 (READ-ONLY COPY).

The authoritative reference and input builder live on the scoring server;
editing this copy changes nothing except your own understanding.
"""

import jax, jax.numpy as jnp
import numpy as np

NUM_GENES = 16384
NUM_SELECTED = 1024
TOURNAMENT_SIZE = 32
DIM = 512


def l2norm(t):
    n = jnp.linalg.norm(t, ord=2, axis=-1, keepdims=True)
    return t / jnp.clip(n, 1e-12)


def setup_inputs(seed: int = 0) -> dict:
    key = jax.random.key(seed)
    k1, k2 = jax.random.split(key)
    fitnesses = jax.random.normal(k1, (NUM_GENES,), dtype=jnp.float32)
    # learned parameter: gene pool, l2-normalized at init as in the torch module
    genes = l2norm(jax.random.normal(k2, (NUM_GENES, DIM), dtype=jnp.float32))
    return {
        "fitnesses": fitnesses,
        "genes": genes,
        "temperature": jnp.float32(1.0),
    }


def reference(fitnesses, genes, temperature=1.0):
    # faithful translation of LatentGenePool.evolve_with_cross_over;
    # returns the new (l2-normalized) gene pool that torch copies into self.genes
    sorted_fitness = jnp.sort(fitnesses)
    sorted_gene_ids = jnp.argsort(fitnesses)
    selected_gene_ids = sorted_gene_ids[-NUM_SELECTED:]
    selected_fitness = sorted_fitness[-NUM_SELECTED:]
    # __getitem__ applies l2norm on the gathered genes
    selected_pool = l2norm(jnp.take(genes, selected_gene_ids, axis=0))

    num_children = NUM_GENES - NUM_SELECTED

    krand = jax.random.key(42)
    kperm, klerp = jax.random.split(krand)

    # batch randperm via argsort of gaussian noise (same trick as torch code)
    batch_randperm = jnp.argsort(
        jax.random.normal(kperm, (num_children, NUM_SELECTED), dtype=jnp.float32), axis=-1
    )
    tourn_ids = batch_randperm[:, :TOURNAMENT_SIZE]
    tourn_fitness_ids = jnp.take(sorted_fitness, tourn_ids)
    # note: original code indexes selected_pool directly with topk positions
    parent_ids = jax.lax.top_k(tourn_fitness_ids, 2)[1]
    parents = jnp.take(selected_pool, parent_ids, axis=0)  # (num_children, 2, dim)
    parent1 = parents[:, 0]
    parent2 = parents[:, 1]

    noise = jax.random.normal(klerp, parent1.shape, dtype=jnp.float32)
    weight = jax.nn.sigmoid(noise / temperature)
    children = parent1 + (parent2 - parent1) * weight  # lerp

    pool = jnp.concatenate([children, selected_pool], axis=0)
    return l2norm(pool)

if __name__ == "__main__":
    import jax
    _d = setup_inputs()
    print(jax.jit(kernel)(*tuple(_d.values())))

</pallas_src>

<mosaic_0001>
#map = affine_map<(d0, d1) -> (0, 0)>
#map1 = affine_map<(d0, d1) -> (0)>
module attributes {stable_mosaic.version = 14 : i64} {
  func.func @gather(%arg0: i32, %arg1: i32, %arg2: memref<16384x512xf32, #tpu.memory_space<hbm>>, %arg3: memref<1024xi32, #tpu.memory_space<hbm>>, %arg4: memref<1024x512xf32, #tpu.memory_space<hbm>>, %arg5: memref<32xi32, #tpu.memory_space<vmem>>, %arg6: memref<32x512xf32, #tpu.memory_space<vmem>>, %arg7: memref<!tpu.dma_semaphore, #tpu.memory_space<semaphore_mem>>) attributes {dimension_semantics = [#tpu.dimension_semantics<core_parallel>, #tpu.dimension_semantics<subcore_parallel>], iteration_bounds = array<i64: 2, 16>, scalar_prefetch = 0 : i64, scratch_operands = 3 : i64, tpu.core_type = #tpu.core_type<sc_vector_subcore>, window_params = [{transform_indices = #map}, {transform_indices = #map1}, {transform_indices = #map}]} {
    %mul3A = arith.constant 2 : i32
    %mul3A_0 = arith.muli %arg1, %mul3A : i32
    %add3A = arith.addi %mul3A_0, %arg0 : i32
    %mul3A_1 = arith.constant 32 : i32
    %mul3A_2 = arith.muli %add3A, %mul3A_1 : i32
    "tpu.region"() ({
      %run_scoped3A = tpu.sem_alloc : memref<!tpu.dma_semaphore, #tpu.memory_space<semaphore_mem>>
      %dma_start3A_7 = tpu.memref_slice %arg3[%mul3A_2] : memref<1024xi32, #tpu.memory_space<hbm>> -> memref<32xi32, #tpu.memory_space<hbm>>
      %dma_start3A_8 = tpu.memref_slice %arg3[%mul3A_2] : memref<1024xi32, #tpu.memory_space<hbm>> -> memref<32xi32, #tpu.memory_space<hbm>>
      tpu.enqueue_dma source(%dma_start3A_8 : memref<32xi32, #tpu.memory_space<hbm>>) target(%arg5 : memref<32xi32, #tpu.memory_space<vmem>>) target_semaphore(%run_scoped3A : memref<!tpu.dma_semaphore, #tpu.memory_space<semaphore_mem>>)
      %dma_wait3A_9 = tpu.memref_slice %arg3[%mul3A_2] : memref<1024xi32, #tpu.memory_space<hbm>> -> memref<32xi32, #tpu.memory_space<hbm>>
      %dma_wait3A_10 = tpu.memref_slice %arg3[%mul3A_2] : memref<1024xi32, #tpu.memory_space<hbm>> -> memref<32xi32, #tpu.memory_space<hbm>>
      tpu.wait_dma2 semaphore(%run_scoped3A : memref<!tpu.dma_semaphore, #tpu.memory_space<semaphore_mem>>) src(%dma_wait3A_10 : memref<32xi32, #tpu.memory_space<hbm>>) dst(%arg5 : memref<32xi32, #tpu.memory_space<vmem>>)
      tpu.yield
    }) : () -> ()
    %dma_start3A = arith.constant 0 : i32
    %dma_start3A_3 = arith.constant 0 : i32
    %dma_start3A_4 = tpu.memref_slice %arg2[%dma_start3A, %dma_start3A_3] : memref<16384x512xf32, #tpu.memory_space<hbm>> -> memref<16384x512xf32, #tpu.memory_space<hbm>>
    tpu.enqueue_indirect_dma source(%dma_start3A_4 : memref<16384x512xf32, #tpu.memory_space<hbm>>) target(%arg6 : memref<32x512xf32, #tpu.memory_space<vmem>>) offsets(%arg5 : memref<32xi32, #tpu.memory_space<vmem>>) semaphore(%arg7 : memref<!tpu.dma_semaphore, #tpu.memory_space<semaphore_mem>>)
    %dma_wait3A = arith.constant 0 : i32
    %dma_wait3A_5 = arith.constant 0 : i32
    %dma_wait3A_6 = tpu.memref_slice %arg2[%dma_wait3A, %dma_wait3A_5] : memref<16384x512xf32, #tpu.memory_space<hbm>> -> memref<16384x512xf32, #tpu.memory_space<hbm>>
    tpu.wait_indirect_dma semaphore(%arg7 : memref<!tpu.dma_semaphore, #tpu.memory_space<semaphore_mem>>) src(%dma_wait3A_6 : memref<16384x512xf32, #tpu.memory_space<hbm>>) dst(%arg6 : memref<32x512xf32, #tpu.memory_space<vmem>>)
    "tpu.region"() ({
      %run_scoped3A = tpu.sem_alloc : memref<!tpu.dma_semaphore, #tpu.memory_space<semaphore_mem>>
      %dma_start3A_7 = arith.constant 0 : i32
      %dma_start3A_8 = tpu.memref_slice %arg4[%mul3A_2, %dma_start3A_7] : memref<1024x512xf32, #tpu.memory_space<hbm>> -> memref<32x512xf32, #tpu.memory_space<hbm>>
      %dma_start3A_9 = arith.constant 0 : i32
      %dma_start3A_10 = tpu.memref_slice %arg4[%mul3A_2, %dma_start3A_9] : memref<1024x512xf32, #tpu.memory_space<hbm>> -> memref<32x512xf32, #tpu.memory_space<hbm>>
      tpu.enqueue_dma source(%arg6 : memref<32x512xf32, #tpu.memory_space<vmem>>) target(%dma_start3A_10 : memref<32x512xf32, #tpu.memory_space<hbm>>) target_semaphore(%run_scoped3A : memref<!tpu.dma_semaphore, #tpu.memory_space<semaphore_mem>>)
      %dma_wait3A_11 = arith.constant 0 : i32
      %dma_wait3A_12 = tpu.memref_slice %arg4[%mul3A_2, %dma_wait3A_11] : memref<1024x512xf32, #tpu.memory_space<hbm>> -> memref<32x512xf32, #tpu.memory_space<hbm>>
      %dma_wait3A_13 = arith.constant 0 : i32
      %dma_wait3A_14 = tpu.memref_slice %arg4[%mul3A_2, %dma_wait3A_13] : memref<1024x512xf32, #tpu.memory_space<hbm>> -> memref<32x512xf32, #tpu.memory_space<hbm>>
      tpu.wait_dma2 semaphore(%run_scoped3A : memref<!tpu.dma_semaphore, #tpu.memory_space<semaphore_mem>>) src(%arg6 : memref<32x512xf32, #tpu.memory_space<vmem>>) dst(%dma_wait3A_14 : memref<32x512xf32, #tpu.memory_space<hbm>>)
      tpu.yield
    }) : () -> ()
    return
  }
}

#map = affine_map<(d0, d1) -> (0, 0)>
#map1 = affine_map<(d0, d1) -> (0)>
module attributes {stable_mosaic.version = 14 : i64} {
  func.func @scatter(%arg0: i32, %arg1: i32, %arg2: memref<128x128xi32, #tpu.memory_space<hbm>>, %arg3: memref<128x128xi32, #tpu.memory_space<hbm>>, %arg4: memref<128x128xi32, #tpu.memory_space<hbm>>, %arg5: memref<16384xi32, #tpu.memory_space<hbm>>, %arg6: memref<16384xi32, #tpu.memory_space<hbm>>, %arg7: memref<4x128xi32, #tpu.memory_space<vmem>>, %arg8: memref<4x128xi32, #tpu.memory_space<vmem>>, %arg9: memref<4x128xi32, #tpu.memory_space<vmem>>, %arg10: memref<!tpu.dma_semaphore, #tpu.memory_space<semaphore_mem>>) attributes {dimension_semantics = [#tpu.dimension_semantics<core_parallel>, #tpu.dimension_semantics<subcore_parallel>], iteration_bounds = array<i64: 2, 16>, scalar_prefetch = 0 : i64, scratch_operands = 4 : i64, tpu.core_type = #tpu.core_type<sc_vector_subcore>, window_params = [{transform_indices = #map}, {transform_indices = #map}, {transform_indices = #map}, {transform_indices = #map1}, {transform_indices = #map1}]} {
    %mul3A = arith.constant 2 : i32
    %mul3A_0 = arith.muli %arg1, %mul3A : i32
    %add3A = arith.addi %mul3A_0, %arg0 : i32
    %mul3A_1 = arith.constant 4 : i32
    %mul3A_2 = arith.muli %add3A, %mul3A_1 : i32
    "tpu.region"() ({
      %run_scoped3A = tpu.sem_alloc : memref<!tpu.dma_semaphore, #tpu.memory_space<semaphore_mem>>
      %dma_start3A_161 = arith.constant 0 : i32
      %dma_start3A_162 = tpu.memref_slice %arg2[%mul3A_2, %dma_start3A_161] : memref<128x128xi32, #tpu.memory_space<hbm>> -> memref<4x128xi32, #tpu.memory_space<hbm>>
      %dma_start3A_163 = arith.constant 0 : i32
      %dma_start3A_164 = tpu.memref_slice %arg2[%mul3A_2, %dma_start3A_163] : memref<128x128xi32, #tpu.memory_space<hbm>> -> memref<4x128xi32, #tpu.memory_space<hbm>>
      tpu.enqueue_dma source(%dma_start3A_164 : memref<4x128xi32, #tpu.memory_space<hbm>>) target(%arg7 : memref<4x128xi32, #tpu.memory_space<vmem>>) target_semaphore(%run_scoped3A : memref<!tpu.dma_semaphore, #tpu.memory_space<semaphore_mem>>)
      %dma_wait3A_165 = arith.constant 0 : i32
      %dma_wait3A_166 = tpu.memref_slice %arg2[%mul3A_2, %dma_wait3A_165] : memref<128x128xi32, #tpu.memory_space<hbm>> -> memref<4x128xi32, #tpu.memory_space<hbm>>
      %dma_wait3A_167 = arith.constant 0 : i32
      %dma_wait3A_168 = tpu.memref_slice %arg2[%mul3A_2, %dma_wait3A_167] : memref<128x128xi32, #tpu.memory_space<hbm>> -> memref<4x128xi32, #tpu.memory_space<hbm>>
      tpu.wait_dma2 semaphore(%run_scoped3A : memref<!tpu.dma_semaphore, #tpu.memory_space<semaphore_mem>>) src(%dma_wait3A_168 : memref<4x128xi32, #tpu.memory_space<hbm>>) dst(%arg7 : memref<4x128xi32, #tpu.memory_space<vmem>>)
      tpu.yield
    }) : () -> ()
    "tpu.region"() ({
      %run_scoped3A = tpu.sem_alloc : memref<!tpu.dma_semaphore, #tpu.memory_space<semaphore_mem>>
      %dma_start3A_161 = arith.constant 0 : i32
      %dma_start3A_162 = tpu.memref_slice %arg3[%mul3A_2, %dma_start3A_161] : memref<128x128xi32, #tpu.memory_space<hbm>> -> memref<4x128xi32, #tpu.memory_space<hbm>>
      %dma_start3A_163 = arith.constant 0 : i32
      %dma_start3A_164 = tpu.memref_slice %arg3[%mul3A_2, %dma_start3A_163] : memref<128x128xi32, #tpu.memory_space<hbm>> -> memref<4x128xi32, #tpu.memory_space<hbm>>
      tpu.enqueue_dma source(%dma_start3A_164 : memref<4x128xi32, #tpu.memory_space<hbm>>) target(%arg8 : memref<4x128xi32, #tpu.memory_space<vmem>>) target_semaphore(%run_scoped3A : memref<!tpu.dma_semaphore, #tpu.memory_space<semaphore_mem>>)
      %dma_wait3A_165 = arith.constant 0 : i32
      %dma_wait3A_166 = tpu.memref_slice %arg3[%mul3A_2, %dma_wait3A_165] : memref<128x128xi32, #tpu.memory_space<hbm>> -> memref<4x128xi32, #tpu.memory_space<hbm>>
      %dma_wait3A_167 = arith.constant 0 : i32
      %dma_wait3A_168 = tpu.memref_slice %arg3[%mul3A_2, %dma_wait3A_167] : memref<128x128xi32, #tpu.memory_space<hbm>> -> memref<4x128xi32, #tpu.memory_space<hbm>>
      tpu.wait_dma2 semaphore(%run_scoped3A : memref<!tpu.dma_semaphore, #tpu.memory_space<semaphore_mem>>) src(%dma_wait3A_168 : memref<4x128xi32, #tpu.memory_space<hbm>>) dst(%arg8 : memref<4x128xi32, #tpu.memory_space<vmem>>)
      tpu.yield
    }) : () -> ()
    "tpu.region"() ({
      %run_scoped3A = tpu.sem_alloc : memref<!tpu.dma_semaphore, #tpu.memory_space<semaphore_mem>>
      %dma_start3A_161 = arith.constant 0 : i32
      %dma_start3A_162 = tpu.memref_slice %arg4[%mul3A_2, %dma_start3A_161] : memref<128x128xi32, #tpu.memory_space<hbm>> -> memref<4x128xi32, #tpu.memory_space<hbm>>
      %dma_start3A_163 = arith.constant 0 : i32
      %dma_start3A_164 = tpu.memref_slice %arg4[%mul3A_2, %dma_start3A_163] : memref<128x128xi32, #tpu.memory_space<hbm>> -> memref<4x128xi32, #tpu.memory_space<hbm>>
      tpu.enqueue_dma source(%dma_start3A_164 : memref<4x128xi32, #tpu.memory_space<hbm>>) target(%arg9 : memref<4x128xi32, #tpu.memory_space<vmem>>) target_semaphore(%run_scoped3A : memref<!tpu.dma_semaphore, #tpu.memory_space<semaphore_mem>>)
      %dma_wait3A_165 = arith.constant 0 : i32
      %dma_wait3A_166 = tpu.memref_slice %arg4[%mul3A_2, %dma_wait3A_165] : memref<128x128xi32, #tpu.memory_space<hbm>> -> memref<4x128xi32, #tpu.memory_space<hbm>>
      %dma_wait3A_167 = arith.constant 0 : i32
      %dma_wait3A_168 = tpu.memref_slice %arg4[%mul3A_2, %dma_wait3A_167] : memref<128x128xi32, #tpu.memory_space<hbm>> -> memref<4x128xi32, #tpu.memory_space<hbm>>
      tpu.wait_dma2 semaphore(%run_scoped3A : memref<!tpu.dma_semaphore, #tpu.memory_space<semaphore_mem>>) src(%dma_wait3A_168 : memref<4x128xi32, #tpu.memory_space<hbm>>) dst(%arg9 : memref<4x128xi32, #tpu.memory_space<vmem>>)
      tpu.yield
    }) : () -> ()
    %dma_start3A = arith.constant 0 : i32
    %dma_start3A_3 = arith.constant 0 : i32
    %dma_start3A_4 = arith.constant 0 : i32
    %dma_start3A_5 = tpu.memref_slice %arg7[%dma_start3A, %dma_start3A_4] : memref<4x128xi32, #tpu.memory_space<vmem>> -> memref<1x128xi32, #tpu.memory_space<vmem>>
    %dma_start3A_6 = tpu.memref_squeeze %dma_start3A_5 : memref<1x128xi32, #tpu.memory_space<vmem>> -> memref<128xi32, #tpu.memory_space<vmem>>
    %dma_start3A_7 = arith.constant 0 : i32
    %dma_start3A_8 = tpu.memref_slice %arg9[%dma_start3A_3, %dma_start3A_7] : memref<4x128xi32, #tpu.memory_space<vmem>> -> memref<1x128xi32, #tpu.memory_space<vmem>>
    %dma_start3A_9 = tpu.memref_squeeze %dma_start3A_8 : memref<1x128xi32, #tpu.memory_space<vmem>> -> memref<128xi32, #tpu.memory_space<vmem>>
    %dma_start3A_10 = arith.constant 0 : i32
    %dma_start3A_11 = tpu.memref_slice %arg5[%dma_start3A_10] : memref<16384xi32, #tpu.memory_space<hbm>> -> memref<16384xi32, #tpu.memory_space<hbm>>
    tpu.enqueue_indirect_dma source(%dma_start3A_6 : memref<128xi32, #tpu.memory_space<vmem>>) target(%dma_start3A_11 : memref<16384xi32, #tpu.memory_space<hbm>>) offsets(%dma_start3A_9 : memref<128xi32, #tpu.memory_space<vmem>>) semaphore(%arg10 : memref<!tpu.dma_semaphore, #tpu.memory_space<semaphore_mem>>)
    %dma_wait3A = arith.constant 0 : i32
    %dma_wait3A_12 = arith.constant 0 : i32
    %dma_wait3A_13 = arith.constant 0 : i32
    %dma_wait3A_14 = tpu.memref_slice %arg7[%dma_wait3A, %dma_wait3A_13] : memref<4x128xi32, #tpu.memory_space<vmem>> -> memref<1x128xi32, #tpu.memory_space<vmem>>
    %dma_wait3A_15 = tpu.memref_squeeze %dma_wait3A_14 : memref<1x128xi32, #tpu.memory_space<vmem>> -> memref<128xi32, #tpu.memory_space<vmem>>
    %dma_wait3A_16 = arith.constant 0 : i32
    %dma_wait3A_17 = tpu.memref_slice %arg9[%dma_wait3A_12, %dma_wait3A_16] : memref<4x128xi32, #tpu.memory_space<vmem>> -> memref<1x128xi32, #tpu.memory_space<vmem>>
    %dma_wait3A_18 = tpu.memref_squeeze %dma_wait3A_17 : memref<1x128xi32, #tpu.memory_space<vmem>> -> memref<128xi32, #tpu.memory_space<vmem>>
    %dma_wait3A_19 = arith.constant 0 : i32
    %dma_wait3A_20 = tpu.memref_slice %arg5[%dma_wait3A_19] : memref<16384xi32, #tpu.memory_space<hbm>> -> memref<16384xi32, #tpu.memory_space<hbm>>
    tpu.wait_indirect_dma semaphore(%arg10 : memref<!tpu.dma_semaphore, #tpu.memory_space<semaphore_mem>>) src(%dma_wait3A_15 : memref<128xi32, #tpu.memory_space<vmem>>) dst(%dma_wait3A_20 : memref<16384xi32, #tpu.memory_space<hbm>>)
    %dma_start3A_21 = arith.constant 0 : i32
    %dma_start3A_22 = arith.constant 0 : i32
    %dma_start3A_23 = arith.constant 0 : i32
    %dma_start3A_24 = tpu.memref_slice %arg8[%dma_start3A_21, %dma_start3A_23] : memref<4x128xi32, #tpu.memory_space<vmem>> -> memref<1x128xi32, #tpu.memory_space<vmem>>
    %dma_start3A_25 = tpu.memref_squeeze %dma_start3A_24 : memref<1x128xi32, #tpu.memory_space<vmem>> -> memref<128xi32, #tpu.memory_space<vmem>>
    %dma_start3A_26 = arith.constant 0 : i32
    %dma_start3A_27 = tpu.memref_slice %arg9[%dma_start3A_22, %dma_start3A_26] : memref<4x128xi32, #tpu.memory_space<vmem>> -> memref<1x128xi32, #tpu.memory_space<vmem>>
    %dma_start3A_28 = tpu.memref_squeeze %dma_start3A_27 : memref<1x128xi32, #tpu.memory_space<vmem>> -> memref<128xi32, #tpu.memory_space<vmem>>
    %dma_start3A_29 = arith.constant 0 : i32
    %dma_start3A_30 = tpu.memref_slice %arg6[%dma_start3A_29] : memref<16384xi32, #tpu.memory_space<hbm>> -> memref<16384xi32, #tpu.memory_space<hbm>>
    tpu.enqueue_indirect_dma source(%dma_start3A_25 : memref<128xi32, #tpu.memory_space<vmem>>) target(%dma_start3A_30 : memref<16384xi32, #tpu.memory_space<hbm>>) offsets(%dma_start3A_28 : memref<128xi32, #tpu.memory_space<vmem>>) semaphore(%arg10 : memref<!tpu.dma_semaphore, #tpu.memory_space<semaphore_mem>>)
    %dma_wait3A_31 = arith.constant 0 : i32
    %dma_wait3A_32 = arith.constant 0 : i32
    %dma_wait3A_33 = arith.constant 0 : i32
    %dma_wait3A_34 = tpu.memref_slice %arg8[%dma_wait3A_31, %dma_wait3A_33] : memref<4x128xi32, #tpu.memory_space<vmem>> -> memref<1x128xi32, #tpu.memory_space<vmem>>
    %dma_wait3A_35 = tpu.memref_squeeze %dma_wait3A_34 : memref<1x128xi32, #tpu.memory_space<vmem>> -> memref<128xi32, #tpu.memory_space<vmem>>
    %dma_wait3A_36 = arith.constant 0 : i32
    %dma_wait3A_37 = tpu.memref_slice %arg9[%dma_wait3A_32, %dma_wait3A_36] : memref<4x128xi32, #tpu.memory_space<vmem>> -> memref<1x128xi32, #tpu.memory_space<vmem>>
    %dma_wait3A_38 = tpu.memref_squeeze %dma_wait3A_37 : memref<1x128xi32, #tpu.memory_space<vmem>> -> memref<128xi32, #tpu.memory_space<vmem>>
    %dma_wait3A_39 = arith.constant 0 : i32
    %dma_wait3A_40 = tpu.memref_slice %arg6[%dma_wait3A_39] : memref<16384xi32, #tpu.memory_space<hbm>> -> memref<16384xi32, #tpu.memory_space<hbm>>
    tpu.wait_indirect_dma semaphore(%arg10 : memref<!tpu.dma_semaphore, #tpu.memory_space<semaphore_mem>>) src(%dma_wait3A_35 : memref<128xi32, #tpu.memory_space<vmem>>) dst(%dma_wait3A_40 : memref<16384xi32, #tpu.memory_space<hbm>>)
    %dma_start3A_41 = arith.constant 1 : i32
    %dma_start3A_42 = arith.constant 1 : i32
    %dma_start3A_43 = arith.constant 0 : i32
    %dma_start3A_44 = tpu.memref_slice %arg7[%dma_start3A_41, %dma_start3A_43] : memref<4x128xi32, #tpu.memory_space<vmem>> -> memref<1x128xi32, #tpu.memory_space<vmem>>
    %dma_start3A_45 = tpu.memref_squeeze %dma_start3A_44 : memref<1x128xi32, #tpu.memory_space<vmem>> -> memref<128xi32, #tpu.memory_space<vmem>>
    %dma_start3A_46 = arith.constant 0 : i32
    %dma_start3A_47 = tpu.memref_slice %arg9[%dma_start3A_42, %dma_start3A_46] : memref<4x128xi32, #tpu.memory_space<vmem>> -> memref<1x128xi32, #tpu.memory_space<vmem>>
    %dma_start3A_48 = tpu.memref_squeeze %dma_start3A_47 : memref<1x128xi32, #tpu.memory_space<vmem>> -> memref<128xi32, #tpu.memory_space<vmem>>
    %dma_start3A_49 = arith.constant 0 : i32
    %dma_start3A_50 = tpu.memref_slice %arg5[%dma_start3A_49] : memref<16384xi32, #tpu.memory_space<hbm>> -> memref<16384xi32, #tpu.memory_space<hbm>>
    tpu.enqueue_indirect_dma source(%dma_start3A_45 : memref<128xi32, #tpu.memory_space<vmem>>) target(%dma_start3A_50 : memref<16384xi32, #tpu.memory_space<hbm>>) offsets(%dma_start3A_48 : memref<128xi32, #tpu.memory_space<vmem>>) semaphore(%arg10 : memref<!tpu.dma_semaphore, #tpu.memory_space<semaphore_mem>>)
    %dma_wait3A_51 = arith.constant 1 : i32
    %dma_wait3A_52 = arith.constant 1 : i32
    %dma_wait3A_53 = arith.constant 0 : i32
    %dma_wait3A_54 = tpu.memref_slice %arg7[%dma_wait3A_51, %dma_wait3A_53] : memref<4x128xi32, #tpu.memory_space<vmem>> -> memref<1x128xi32, #tpu.memory_space<vmem>>
    %dma_wait3A_55 = tpu.memref_squeeze %dma_wait3A_54 : memref<1x128xi32, #tpu.memory_space<vmem>> -> memref<128xi32, #tpu.memory_space<vmem>>
    %dma_wait3A_56 = arith.constant 0 : i32
    %dma_wait3A_57 = tpu.memref_slice %arg9[%dma_wait3A_52, %dma_wait3A_56] : memref<4x128xi32, #tpu.memory_space<vmem>> -> memref<1x128xi32, #tpu.memory_space<vmem>>
    %dma_wait3A_58 = tpu.memref_squeeze %dma_wait3A_57 : memref<1x128xi32, #tpu.memory_space<vmem>> -> memref<128xi32, #tpu.memory_space<vmem>>
    %dma_wait3A_59 = arith.constant 0 : i32
    %dma_wait3A_60 = tpu.memref_slice %arg5[%dma_wait3A_59] : memref<16384xi32, #tpu.memory_space<hbm>> -> memref<16384xi32, #tpu.memory_space<hbm>>
    tpu.wait_indirect_dma semaphore(%arg10 : memref<!tpu.dma_semaphore, #tpu.memory_space<semaphore_mem>>) src(%dma_wait3A_55 : memref<128xi32, #tpu.memory_space<vmem>>) dst(%dma_wait3A_60 : memref<16384xi32, #tpu.memory_space<hbm>>)
    %dma_start3A_61 = arith.constant 1 : i32
    %dma_start3A_62 = arith.constant 1 : i32
    %dma_start3A_63 = arith.constant 0 : i32
    %dma_start3A_64 = tpu.memref_slice %arg8[%dma_start3A_61, %dma_start3A_63] : memref<4x128xi32, #tpu.memory_space<vmem>> -> memref<1x128xi32, #tpu.memory_space<vmem>>
    %dma_start3A_65 = tpu.memref_squeeze %dma_start3A_64 : memref<1x128xi32, #tpu.memory_space<vmem>> -> memref<128xi32, #tpu.memory_space<vmem>>
    %dma_start3A_66 = arith.constant 0 : i32
    %dma_start3A_67 = tpu.memref_slice %arg9[%dma_start3A_62, %dma_start3A_66] : memref<4x128xi32, #tpu.memory_space<vmem>> -> memref<1x128xi32, #tpu.memory_space<vmem>>
    %dma_start3A_68 = tpu.memref_squeeze %dma_start3A_67 : memref<1x128xi32, #tpu.memory_space<vmem>> -> memref<128xi32, #tpu.memory_space<vmem>>
    %dma_start3A_69 = arith.constant 0 : i32
    %dma_start3A_70 = tpu.memref_slice %arg6[%dma_start3A_69] : memref<16384xi32, #tpu.memory_space<hbm>> -> memref<16384xi32, #tpu.memory_space<hbm>>
    tpu.enqueue_indirect_dma source(%dma_start3A_65 : memref<128xi32, #tpu.memory_space<vmem>>) target(%dma_start3A_70 : memref<16384xi32, #tpu.memory_space<hbm>>) offsets(%dma_start3A_68 : memref<128xi32, #tpu.memory_space<vmem>>) semaphore(%arg10 : memref<!tpu.dma_semaphore, #tpu.memory_space<semaphore_mem>>)
    %dma_wait3A_71 = arith.constant 1 : i32
    %dma_wait3A_72 = arith.constant 1 : i32
    %dma_wait3A_73 = arith.constant 0 : i32
    %dma_wait3A_74 = tpu.memref_slice %arg8[%dma_wait3A_71, %dma_wait3A_73] : memref<4x128xi32, #tpu.memory_space<vmem>> -> memref<1x128xi32, #tpu.memory_space<vmem>>
    %dma_wait3A_75 = tpu.memref_squeeze %dma_wait3A_74 : memref<1x128xi32, #tpu.memory_space<vmem>> -> memref<128xi32, #tpu.memory_space<vmem>>
    %dma_wait3A_76 = arith.constant 0 : i32
    %dma_wait3A_77 = tpu.memref_slice %arg9[%dma_wait3A_72, %dma_wait3A_76] : memref<4x128xi32, #tpu.memory_space<vmem>> -> memref<1x128xi32, #tpu.memory_space<vmem>>
    %dma_wait3A_78 = tpu.memref_squeeze %dma_wait3A_77 : memref<1x128xi32, #tpu.memory_space<vmem>> -> memref<128xi32, #tpu.memory_space<vmem>>
    %dma_wait3A_79 = arith.constant 0 : i32
    %dma_wait3A_80 = tpu.memref_slice %arg6[%dma_wait3A_79] : memref<16384xi32, #tpu.memory_space<hbm>> -> memref<16384xi32, #tpu.memory_space<hbm>>
    tpu.wait_indirect_dma semaphore(%arg10 : memref<!tpu.dma_semaphore, #tpu.memory_space<semaphore_mem>>) src(%dma_wait3A_75 : memref<128xi32, #tpu.memory_space<vmem>>) dst(%dma_wait3A_80 : memref<16384xi32, #tpu.memory_space<hbm>>)
    %dma_start3A_81 = arith.constant 2 : i32
    %dma_start3A_82 = arith.constant 2 : i32
    %dma_start3A_83 = arith.constant 0 : i32
    %dma_start3A_84 = tpu.memref_slice %arg7[%dma_start3A_81, %dma_start3A_83] : memref<4x128xi32, #tpu.memory_space<vmem>> -> memref<1x128xi32, #tpu.memory_space<vmem>>
    %dma_start3A_85 = tpu.memref_squeeze %dma_start3A_84 : memref<1x128xi32, #tpu.memory_space<vmem>> -> memref<128xi32, #tpu.memory_space<vmem>>
    %dma_start3A_86 = arith.constant 0 : i32
    %dma_start3A_87 = tpu.memref_slice %arg9[%dma_start3A_82, %dma_start3A_86] : memref<4x128xi32, #tpu.memory_space<vmem>> -> memref<1x128xi32, #tpu.memory_space<vmem>>
    %dma_start3A_88 = tpu.memref_squeeze %dma_start3A_87 : memref<1x128xi32, #tpu.memory_space<vmem>> -> memref<128xi32, #tpu.memory_space<vmem>>
    %dma_start3A_89 = arith.constant 0 : i32
    %dma_start3A_90 = tpu.memref_slice %arg5[%dma_start3A_89] : memref<16384xi32, #tpu.memory_space<hbm>> -> memref<16384xi32, #tpu.memory_space<hbm>>
    tpu.enqueue_indirect_dma source(%dma_start3A_85 : memref<128xi32, #tpu.memory_space<vmem>>) target(%dma_start3A_90 : memref<16384xi32, #tpu.memory_space<hbm>>) offsets(%dma_start3A_88 : memref<128xi32, #tpu.memory_space<vmem>>) semaphore(%arg10 : memref<!tpu.dma_semaphore, #tpu.memory_space<semaphore_mem>>)
    %dma_wait3A_91 = arith.constant 2 : i32
    %dma_wait3A_92 = arith.constant 2 : i32
    %dma_wait3A_93 = arith.constant 0 : i32
    %dma_wait3A_94 = tpu.memref_slice %arg7[%dma_wait3A_91, %dma_wait3A_93] : memref<4x128xi32, #tpu.memory_space<vmem>> -> memref<1x128xi32, #tpu.memory_space<vmem>>
    %dma_wait3A_95 = tpu.memref_squeeze %dma_wait3A_94 : memref<1x128xi32, #tpu.memory_space<vmem>> -> memref<128xi32, #tpu.memory_space<vmem>>
    %dma_wait3A_96 = arith.constant 0 : i32
    %dma_wait3A_97 = tpu.memref_slice %arg9[%dma_wait3A_92, %dma_wait3A_96] : memref<4x128xi32, #tpu.memory_space<vmem>> -> memref<1x128xi32, #tpu.memory_space<vmem>>
    %dma_wait3A_98 = tpu.memref_squeeze %dma_wait3A_97 : memref<1x128xi32, #tpu.memory_space<vmem>> -> memref<128xi32, #tpu.memory_space<vmem>>
    %dma_wait3A_99 = arith.constant 0 : i32
    %dma_wait3A_100 = tpu.memref_slice %arg5[%dma_wait3A_99] : memref<16384xi32, #tpu.memory_space<hbm>> -> memref<16384xi32, #tpu.memory_space<hbm>>
    tpu.wait_indirect_dma semaphore(%arg10 : memref<!tpu.dma_semaphore, #tpu.memory_space<semaphore_mem>>) src(%dma_wait3A_95 : memref<128xi32, #tpu.memory_space<vmem>>) dst(%dma_wait3A_100 : memref<16384xi32, #tpu.memory_space<hbm>>)
    %dma_start3A_101 = arith.constant 2 : i32
    %dma_start3A_102 = arith.constant 2 : i32
    %dma_start3A_103 = arith.constant 0 : i32
    %dma_start3A_104 = tpu.memref_slice %arg8[%dma_start3A_101, %dma_start3A_103] : memref<4x128xi32, #tpu.memory_space<vmem>> -> memref<1x128xi32, #tpu.memory_space<vmem>>
    %dma_start3A_105 = tpu.memref_squeeze %dma_start3A_104 : memref<1x128xi32, #tpu.memory_space<vmem>> -> memref<128xi32, #tpu.memory_space<vmem>>
    %dma_start3A_106 = arith.constant 0 : i32
    %dma_start3A_107 = tpu.memref_slice %arg9[%dma_start3A_102, %dma_start3A_106] : memref<4x128xi32, #tpu.memory_space<vmem>> -> memref<1x128xi32, #tpu.memory_space<vmem>>
    %dma_start3A_108 = tpu.memref_squeeze %dma_start3A_107 : memref<1x128xi32, #tpu.memory_space<vmem>> -> memref<128xi32, #tpu.memory_space<vmem>>
    %dma_start3A_109 = arith.constant 0 : i32
    %dma_start3A_110 = tpu.memref_slice %arg6[%dma_start3A_109] : memref<16384xi32, #tpu.memory_space<hbm>> -> memref<16384xi32, #tpu.memory_space<hbm>>
    tpu.enqueue_indirect_dma source(%dma_start3A_105 : memref<128xi32, #tpu.memory_space<vmem>>) target(%dma_start3A_110 : memref<16384xi32, #tpu.memory_space<hbm>>) offsets(%dma_start3A_108 : memref<128xi32, #tpu.memory_space<vmem>>) semaphore(%arg10 : memref<!tpu.dma_semaphore, #tpu.memory_space<semaphore_mem>>)
    %dma_wait3A_111 = arith.constant 2 : i32
    %dma_wait3A_112 = arith.constant 2 : i32
    %dma_wait3A_113 = arith.constant 0 : i32
    %dma_wait3A_114 = tpu.memref_slice %arg8[%dma_wait3A_111, %dma_wait3A_113] : memref<4x128xi32, #tpu.memory_space<vmem>> -> memref<1x128xi32, #tpu.memory_space<vmem>>
    %dma_wait3A_115 = tpu.memref_squeeze %dma_wait3A_114 : memref<1x128xi32, #tpu.memory_space<vmem>> -> memref<128xi32, #tpu.memory_space<vmem>>
    %dma_wait3A_116 = arith.constant 0 : i32
    %dma_wait3A_117 = tpu.memref_slice %arg9[%dma_wait3A_112, %dma_wait3A_116] : memref<4x128xi32, #tpu.memory_space<vmem>> -> memref<1x128xi32, #tpu.memory_space<vmem>>
    %dma_wait3A_118 = tpu.memref_squeeze %dma_wait3A_117 : memref<1x128xi32, #tpu.memory_space<vmem>> -> memref<128xi32, #tpu.memory_space<vmem>>
    %dma_wait3A_119 = arith.constant 0 : i32
    %dma_wait3A_120 = tpu.memref_slice %arg6[%dma_wait3A_119] : memref<16384xi32, #tpu.memory_space<hbm>> -> memref<16384xi32, #tpu.memory_space<hbm>>
    tpu.wait_indirect_dma semaphore(%arg10 : memref<!tpu.dma_semaphore, #tpu.memory_space<semaphore_mem>>) src(%dma_wait3A_115 : memref<128xi32, #tpu.memory_space<vmem>>) dst(%dma_wait3A_120 : memref<16384xi32, #tpu.memory_space<hbm>>)
    %dma_start3A_121 = arith.constant 3 : i32
    %dma_start3A_122 = arith.constant 3 : i32
    %dma_start3A_123 = arith.constant 0 : i32
    %dma_start3A_124 = tpu.memref_slice %arg7[%dma_start3A_121, %dma_start3A_123] : memref<4x128xi32, #tpu.memory_space<vmem>> -> memref<1x128xi32, #tpu.memory_space<vmem>>
    %dma_start3A_125 = tpu.memref_squeeze %dma_start3A_124 : memref<1x128xi32, #tpu.memory_space<vmem>> -> memref<128xi32, #tpu.memory_space<vmem>>
    %dma_start3A_126 = arith.constant 0 : i32
    %dma_start3A_127 = tpu.memref_slice %arg9[%dma_start3A_122, %dma_start3A_126] : memref<4x128xi32, #tpu.memory_space<vmem>> -> memref<1x128xi32, #tpu.memory_space<vmem>>
    %dma_start3A_128 = tpu.memref_squeeze %dma_start3A_127 : memref<1x128xi32, #tpu.memory_space<vmem>> -> memref<128xi32, #tpu.memory_space<vmem>>
    %dma_start3A_129 = arith.constant 0 : i32
    %dma_start3A_130 = tpu.memref_slice %arg5[%dma_start3A_129] : memref<16384xi32, #tpu.memory_space<hbm>> -> memref<16384xi32, #tpu.memory_space<hbm>>
    tpu.enqueue_indirect_dma source(%dma_start3A_125 : memref<128xi32, #tpu.memory_space<vmem>>) target(%dma_start3A_130 : memref<16384xi32, #tpu.memory_space<hbm>>) offsets(%dma_start3A_128 : memref<128xi32, #tpu.memory_space<vmem>>) semaphore(%arg10 : memref<!tpu.dma_semaphore, #tpu.memory_space<semaphore_mem>>)
    %dma_wait3A_131 = arith.constant 3 : i32
    %dma_wait3A_132 = arith.constant 3 : i32
    %dma_wait3A_133 = arith.constant 0 : i32
    %dma_wait3A_134 = tpu.memref_slice %arg7[%dma_wait3A_131, %dma_wait3A_133] : memref<4x128xi32, #tpu.memory_space<vmem>> -> memref<1x128xi32, #tpu.memory_space<vmem>>
    %dma_wait3A_135 = tpu.memref_squeeze %dma_wait3A_134 : memref<1x128xi32, #tpu.memory_space<vmem>> -> memref<128xi32, #tpu.memory_space<vmem>>
    %dma_wait3A_136 = arith.constant 0 : i32
    %dma_wait3A_137 = tpu.memref_slice %arg9[%dma_wait3A_132, %dma_wait3A_136] : memref<4x128xi32, #tpu.memory_space<vmem>> -> memref<1x128xi32, #tpu.memory_space<vmem>>
    %dma_wait3A_138 = tpu.memref_squeeze %dma_wait3A_137 : memref<1x128xi32, #tpu.memory_space<vmem>> -> memref<128xi32, #tpu.memory_space<vmem>>
    %dma_wait3A_139 = arith.constant 0 : i32
    %dma_wait3A_140 = tpu.memref_slice %arg5[%dma_wait3A_139] : memref<16384xi32, #tpu.memory_space<hbm>> -> memref<16384xi32, #tpu.memory_space<hbm>>
    tpu.wait_indirect_dma semaphore(%arg10 : memref<!tpu.dma_semaphore, #tpu.memory_space<semaphore_mem>>) src(%dma_wait3A_135 : memref<128xi32, #tpu.memory_space<vmem>>) dst(%dma_wait3A_140 : memref<16384xi32, #tpu.memory_space<hbm>>)
    %dma_start3A_141 = arith.constant 3 : i32
    %dma_start3A_142 = arith.constant 3 : i32
    %dma_start3A_143 = arith.constant 0 : i32
    %dma_start3A_144 = tpu.memref_slice %arg8[%dma_start3A_141, %dma_start3A_143] : memref<4x128xi32, #tpu.memory_space<vmem>> -> memref<1x128xi32, #tpu.memory_space<vmem>>
    %dma_start3A_145 = tpu.memref_squeeze %dma_start3A_144 : memref<1x128xi32, #tpu.memory_space<vmem>> -> memref<128xi32, #tpu.memory_space<vmem>>
    %dma_start3A_146 = arith.constant 0 : i32
    %dma_start3A_147 = tpu.memref_slice %arg9[%dma_start3A_142, %dma_start3A_146] : memref<4x128xi32, #tpu.memory_space<vmem>> -> memref<1x128xi32, #tpu.memory_space<vmem>>
    %dma_start3A_148 = tpu.memref_squeeze %dma_start3A_147 : memref<1x128xi32, #tpu.memory_space<vmem>> -> memref<128xi32, #tpu.memory_space<vmem>>
    %dma_start3A_149 = arith.constant 0 : i32
    %dma_start3A_150 = tpu.memref_slice %arg6[%dma_start3A_149] : memref<16384xi32, #tpu.memory_space<hbm>> -> memref<16384xi32, #tpu.memory_space<hbm>>
    tpu.enqueue_indirect_dma source(%dma_start3A_145 : memref<128xi32, #tpu.memory_space<vmem>>) target(%dma_start3A_150 : memref<16384xi32, #tpu.memory_space<hbm>>) offsets(%dma_start3A_148 : memref<128xi32, #tpu.memory_space<vmem>>) semaphore(%arg10 : memref<!tpu.dma_semaphore, #tpu.memory_space<semaphore_mem>>)
    %dma_wait3A_151 = arith.constant 3 : i32
    %dma_wait3A_152 = arith.constant 3 : i32
    %dma_wait3A_153 = arith.constant 0 : i32
    %dma_wait3A_154 = tpu.memref_slice %arg8[%dma_wait3A_151, %dma_wait3A_153] : memref<4x128xi32, #tpu.memory_space<vmem>> -> memref<1x128xi32, #tpu.memory_space<vmem>>
    %dma_wait3A_155 = tpu.memref_squeeze %dma_wait3A_154 : memref<1x128xi32, #tpu.memory_space<vmem>> -> memref<128xi32, #tpu.memory_space<vmem>>
    %dma_wait3A_156 = arith.constant 0 : i32
    %dma_wait3A_157 = tpu.memref_slice %arg9[%dma_wait3A_152, %dma_wait3A_156] : memref<4x128xi32, #tpu.memory_space<vmem>> -> memref<1x128xi32, #tpu.memory_space<vmem>>
    %dma_wait3A_158 = tpu.memref_squeeze %dma_wait3A_157 : memref<1x128xi32, #tpu.memory_space<vmem>> -> memref<128xi32, #tpu.memory_space<vmem>>
    %dma_wait3A_159 = arith.constant 0 : i32
    %dma_wait3A_160 = tpu.memref_slice %arg6[%dma_wait3A_159] : memref<16384xi32, #tpu.memory_space<hbm>> -> memref<16384xi32, #tpu.memory_space<hbm>>
    tpu.wait_indirect_dma semaphore(%arg10 : memref<!tpu.dma_semaphore, #tpu.memory_space<semaphore_mem>>) src(%dma_wait3A_155 : memref<128xi32, #tpu.memory_space<vmem>>) dst(%dma_wait3A_160 : memref<16384xi32, #tpu.memory_space<hbm>>)
    return
  }
}

module attributes {stable_mosaic.version = 14 : i64} {
  func.func @_rank_body(%arg0: i32, %arg1: memref<1024x1xi32, #tpu.memory_space<vmem>>, %arg2: memref<16x1x1024xi32, #tpu.memory_space<vmem>>, %arg3: memref<1024x1xi32, #tpu.memory_space<vmem>>) attributes {dimension_semantics = [#tpu.dimension_semantics<arbitrary>], iteration_bounds = array<i64: 16>, scalar_prefetch = 0 : i64, scratch_operands = 0 : i64, tpu.core_type = #tpu.core_type<tc>, window_params = [{transform_indices = @transform_0, window_bounds = array<i64: 1024, 1>}, {pipeline_mode = #tpu.pipeline_mode<synchronous>, transform_indices = @transform_1, window_bounds = array<i64: 16, 1, 1024>}, {transform_indices = @transform_2, window_bounds = array<i64: 1024, 1>}]} {
    %get3A = arith.constant 0 : index
    %get3A_0 = arith.constant 0 : index
    %get3A_1 = vector.load %arg1[%get3A, %get3A_0] : memref<1024x1xi32, #tpu.memory_space<vmem>>, vector<1024x1xi32>
    %broadcast_in_dim3A = arith.constant 1.000000e+00 : f32
    %broadcast_in_dim3A_2 = vector.broadcast %broadcast_in_dim3A : f32 to vector<1024x1xf32>
    %broadcast_in_dim3A_3 = arith.constant 0.000000e+00 : f32
    %broadcast_in_dim3A_4 = vector.broadcast %broadcast_in_dim3A_3 : f32 to vector<1024x1xf32>
    %get3A_5 = arith.constant 0 : index
    %get3A_6 = arith.constant 0 : index
    %get3A_7 = arith.constant 0 : index
    %get3A_8 = vector.load %arg2[%get3A_5, %get3A_6, %get3A_7] : memref<16x1x1024xi32, #tpu.memory_space<vmem>>, vector<1x1x1024xi32>
    %get3A_9 = vector.shape_cast %get3A_8 : vector<1x1x1024xi32> to vector<1x1024xi32>
    %lt3A = arith.constant 0 : i32
    %lt3A_10 = arith.cmpi slt, %lt3A, %arg0 : i32
    %jit3A = arith.constant 1 : i32
    %jit3A_11 = arith.constant 0 : i32
    %select_n3A = arith.select %lt3A_10, %jit3A, %jit3A_11 : i32
    %add3A = vector.broadcast %select_n3A : i32 to vector<1024x1xi32>
    %add3A_12 = arith.addi %get3A_1, %add3A : vector<1024x1xi32>
    %lt3A_13 = vector.broadcast %get3A_9 : vector<1x1024xi32> to vector<1024x1024xi32>
    %lt3A_14 = vector.broadcast %add3A_12 : vector<1024x1xi32> to vector<1024x1024xi32>
    %lt3A_15 = arith.cmpi slt, %lt3A_13, %lt3A_14 : vector<1024x1024xi32>
    %convert_element_type3A = arith.extui %lt3A_15 : vector<1024x1024xi1> to vector<1024x1024xi32>
    %convert_element_type3A_16 = arith.sitofp %convert_element_type3A : vector<1024x1024xi32> to vector<1024x1024xf32>
    %dot_general3A = arith.constant dense<0.000000e+00> : vector<1024x1xf32>
    %dot_general3A_17 = tpu.matmul %convert_element_type3A_16, %broadcast_in_dim3A_2, %dot_general3A {dimension_numbers = #tpu.dot_dimension_numbers<[1], [0], [0], [1], [0, 0, 1, 1], [], []>, transpose_lhs_hint = false} : vector<1024x1024xf32>, vector<1024x1xf32>, vector<1024x1xf32> -> vector<1024x1xf32>
    %add3A_18 = arith.addf %broadcast_in_dim3A_4, %dot_general3A_17 : vector<1024x1xf32>
    %get3A_19 = arith.constant 1 : index
    %get3A_20 = arith.constant 0 : index
    %get3A_21 = arith.constant 0 : index
    %get3A_22 = vector.load %arg2[%get3A_19, %get3A_20, %get3A_21] : memref<16x1x1024xi32, #tpu.memory_space<vmem>>, vector<1x1x1024xi32>
    %get3A_23 = vector.shape_cast %get3A_22 : vector<1x1x1024xi32> to vector<1x1024xi32>
    %lt3A_24 = arith.constant 1 : i32
    %lt3A_25 = arith.cmpi slt, %lt3A_24, %arg0 : i32
    %jit3A_26 = arith.constant 1 : i32
    %jit3A_27 = arith.constant 0 : i32
    %select_n3A_28 = arith.select %lt3A_25, %jit3A_26, %jit3A_27 : i32
    %add3A_29 = vector.broadcast %select_n3A_28 : i32 to vector<1024x1xi32>
    %add3A_30 = arith.addi %get3A_1, %add3A_29 : vector<1024x1xi32>
    %lt3A_31 = vector.broadcast %get3A_23 : vector<1x1024xi32> to vector<1024x1024xi32>
    %lt3A_32 = vector.broadcast %add3A_30 : vector<1024x1xi32> to vector<1024x1024xi32>
    %lt3A_33 = arith.cmpi slt, %lt3A_31, %lt3A_32 : vector<1024x1024xi32>
    %convert_element_type3A_34 = arith.extui %lt3A_33 : vector<1024x1024xi1> to vector<1024x1024xi32>
    %convert_element_type3A_35 = arith.sitofp %convert_element_type3A_34 : vector<1024x1024xi32> to vector<1024x1024xf32>
    %dot_general3A_36 = arith.constant dense<0.000000e+00> : vector<1024x1xf32>
    %dot_general3A_37 = tpu.matmul %convert_element_type3A_35, %broadcast_in_dim3A_2, %dot_general3A_36 {dimension_numbers = #tpu.dot_dimension_numbers<[1], [0], [0], [1], [0, 0, 1, 1], [], []>, transpose_lhs_hint = false} : vector<1024x1024xf32>, vector<1024x1xf32>, vector<1024x1xf32> -> vector<1024x1xf32>
    %add3A_38 = arith.addf %add3A_18, %dot_general3A_37 : vector<1024x1xf32>
    %get3A_39 = arith.constant 2 : index
    %get3A_40 = arith.constant 0 : index
    %get3A_41 = arith.constant 0 : index
    %get3A_42 = vector.load %arg2[%get3A_39, %get3A_40, %get3A_41] : memref<16x1x1024xi32, #tpu.memory_space<vmem>>, vector<1x1x1024xi32>
    %get3A_43 = vector.shape_cast %get3A_42 : vector<1x1x1024xi32> to vector<1x1024xi32>
    %lt3A_44 = arith.constant 2 : i32
    %lt3A_45 = arith.cmpi slt, %lt3A_44, %arg0 : i32
    %jit3A_46 = arith.constant 1 : i32
    %jit3A_47 = arith.constant 0 : i32
    %select_n3A_48 = arith.select %lt3A_45, %jit3A_46, %jit3A_47 : i32
    %add3A_49 = vector.broadcast %select_n3A_48 : i32 to vector<1024x1xi32>
    %add3A_50 = arith.addi %get3A_1, %add3A_49 : vector<1024x1xi32>
    %lt3A_51 = vector.broadcast %get3A_43 : vector<1x1024xi32> to vector<1024x1024xi32>
    %lt3A_52 = vector.broadcast %add3A_50 : vector<1024x1xi32> to vector<1024x1024xi32>
    %lt3A_53 = arith.cmpi slt, %lt3A_51, %lt3A_52 : vector<1024x1024xi32>
    %convert_element_type3A_54 = arith.extui %lt3A_53 : vector<1024x1024xi1> to vector<1024x1024xi32>
    %convert_element_type3A_55 = arith.sitofp %convert_element_type3A_54 : vector<1024x1024xi32> to vector<1024x1024xf32>
    %dot_general3A_56 = arith.constant dense<0.000000e+00> : vector<1024x1xf32>
    %dot_general3A_57 = tpu.matmul %convert_element_type3A_55, %broadcast_in_dim3A_2, %dot_general3A_56 {dimension_numbers = #tpu.dot_dimension_numbers<[1], [0], [0], [1], [0, 0, 1, 1], [], []>, transpose_lhs_hint = false} : vector<1024x1024xf32>, vector<1024x1xf32>, vector<1024x1xf32> -> vector<1024x1xf32>
    %add3A_58 = arith.addf %add3A_38, %dot_general3A_57 : vector<1024x1xf32>
    %get3A_59 = arith.constant 3 : index
    %get3A_60 = arith.constant 0 : index
    %get3A_61 = arith.constant 0 : index
    %get3A_62 = vector.load %arg2[%get3A_59, %get3A_60, %get3A_61] : memref<16x1x1024xi32, #tpu.memory_space<vmem>>, vector<1x1x1024xi32>
    %get3A_63 = vector.shape_cast %get3A_62 : vector<1x1x1024xi32> to vector<1x1024xi32>
    %lt3A_64 = arith.constant 3 : i32
    %lt3A_65 = arith.cmpi slt, %lt3A_64, %arg0 : i32
    %jit3A_66 = arith.constant 1 : i32
    %jit3A_67 = arith.constant 0 : i32
    %select_n3A_68 = arith.select %lt3A_65, %jit3A_66, %jit3A_67 : i32
    %add3A_69 = vector.broadcast %select_n3A_68 : i32 to vector<1024x1xi32>
    %add3A_70 = arith.addi %get3A_1, %add3A_69 : vector<1024x1xi32>
    %lt3A_71 = vector.broadcast %get3A_63 : vector<1x1024xi32> to vector<1024x1024xi32>
    %lt3A_72 = vector.broadcast %add3A_70 : vector<1024x1xi32> to vector<1024x1024xi32>
    %lt3A_73 = arith.cmpi slt, %lt3A_71, %lt3A_72 : vector<1024x1024xi32>
    %convert_element_type3A_74 = arith.extui %lt3A_73 : vector<1024x1024xi1> to vector<1024x1024xi32>
    %convert_element_type3A_75 = arith.sitofp %convert_element_type3A_74 : vector<1024x1024xi32> to vector<1024x1024xf32>
    %dot_general3A_76 = arith.constant dense<0.000000e+00> : vector<1024x1xf32>
    %dot_general3A_77 = tpu.matmul %convert_element_type3A_75, %broadcast_in_dim3A_2, %dot_general3A_76 {dimension_numbers = #tpu.dot_dimension_numbers<[1], [0], [0], [1], [0, 0, 1, 1], [], []>, transpose_lhs_hint = false} : vector<1024x1024xf32>, vector<1024x1xf32>, vector<1024x1xf32> -> vector<1024x1xf32>
    %add3A_78 = arith.addf %add3A_58, %dot_general3A_77 : vector<1024x1xf32>
    %get3A_79 = arith.constant 4 : index
    %get3A_80 = arith.constant 0 : index
    %get3A_81 = arith.constant 0 : index
    %get3A_82 = vector.load %arg2[%get3A_79, %get3A_80, %get3A_81] : memref<16x1x1024xi32, #tpu.memory_space<vmem>>, vector<1x1x1024xi32>
    %get3A_83 = vector.shape_cast %get3A_82 : vector<1x1x1024xi32> to vector<1x1024xi32>
    %lt3A_84 = arith.constant 4 : i32
    %lt3A_85 = arith.cmpi slt, %lt3A_84, %arg0 : i32
    %jit3A_86 = arith.constant 1 : i32
    %jit3A_87 = arith.constant 0 : i32
    %select_n3A_88 = arith.select %lt3A_85, %jit3A_86, %jit3A_87 : i32
    %add3A_89 = vector.broadcast %select_n3A_88 : i32 to vector<1024x1xi32>
    %add3A_90 = arith.addi %get3A_1, %add3A_89 : vector<1024x1xi32>
    %lt3A_91 = vector.broadcast %get3A_83 : vector<1x1024xi32> to vector<1024x1024xi32>
    %lt3A_92 = vector.broadcast %add3A_90 : vector<1024x1xi32> to vector<1024x1024xi32>
    %lt3A_93 = arith.cmpi slt, %lt3A_91, %lt3A_92 : vector<1024x1024xi32>
    %convert_element_type3A_94 = arith.extui %lt3A_93 : vector<1024x1024xi1> to vector<1024x1024xi32>
    %convert_element_type3A_95 = arith.sitofp %convert_element_type3A_94 : vector<1024x1024xi32> to vector<1024x1024xf32>
    %dot_general3A_96 = arith.constant dense<0.000000e+00> : vector<1024x1xf32>
    %dot_general3A_97 = tpu.matmul %convert_element_type3A_95, %broadcast_in_dim3A_2, %dot_general3A_96 {dimension_numbers = #tpu.dot_dimension_numbers<[1], [0], [0], [1], [0, 0, 1, 1], [], []>, transpose_lhs_hint = false} : vector<1024x1024xf32>, vector<1024x1xf32>, vector<1024x1xf32> -> vector<1024x1xf32>
    %add3A_98 = arith.addf %add3A_78, %dot_general3A_97 : vector<1024x1xf32>
    %get3A_99 = arith.constant 5 : index
    %get3A_100 = arith.constant 0 : index
    %get3A_101 = arith.constant 0 : index
    %get3A_102 = vector.load %arg2[%get3A_99, %get3A_100, %get3A_101] : memref<16x1x1024xi32, #tpu.memory_space<vmem>>, vector<1x1x1024xi32>
    %get3A_103 = vector.shape_cast %get3A_102 : vector<1x1x1024xi32> to vector<1x1024xi32>
    %lt3A_104 = arith.constant 5 : i32
    %lt3A_105 = arith.cmpi slt, %lt3A_104, %arg0 : i32
    %jit3A_106 = arith.constant 1 : i32
    %jit3A_107 = arith.constant 0 : i32
    %select_n3A_108 = arith.select %lt3A_105, %jit3A_106, %jit3A_107 : i32
    %add3A_109 = vector.broadcast %select_n3A_108 : i32 to vector<1024x1xi32>
    %add3A_110 = arith.addi %get3A_1, %add3A_109 : vector<1024x1xi32>
    %lt3A_111 = vector.broadcast %get3A_103 : vector<1x1024xi32> to vector<1024x1024xi32>
    %lt3A_112 = vector.broadcast %add3A_110 : vector<1024x1xi32> to vector<1024x1024xi32>
    %lt3A_113 = arith.cmpi slt, %lt3A_111, %lt3A_112 : vector<1024x1024xi32>
    %convert_element_type3A_114 = arith.extui %lt3A_113 : vector<1024x1024xi1> to vector<1024x1024xi32>
    %convert_element_type3A_115 = arith.sitofp %convert_element_type3A_114 : vector<1024x1024xi32> to vector<1024x1024xf32>
    %dot_general3A_116 = arith.constant dense<0.000000e+00> : vector<1024x1xf32>
    %dot_general3A_117 = tpu.matmul %convert_element_type3A_115, %broadcast_in_dim3A_2, %dot_general3A_116 {dimension_numbers = #tpu.dot_dimension_numbers<[1], [0], [0], [1], [0, 0, 1, 1], [], []>, transpose_lhs_hint = false} : vector<1024x1024xf32>, vector<1024x1xf32>, vector<1024x1xf32> -> vector<1024x1xf32>
    %add3A_118 = arith.addf %add3A_98, %dot_general3A_117 : vector<1024x1xf32>
    %get3A_119 = arith.constant 6 : index
    %get3A_120 = arith.constant 0 : index
    %get3A_121 = arith.constant 0 : index
    %get3A_122 = vector.load %arg2[%get3A_119, %get3A_120, %get3A_121] : memref<16x1x1024xi32, #tpu.memory_space<vmem>>, vector<1x1x1024xi32>
    %get3A_123 = vector.shape_cast %get3A_122 : vector<1x1x1024xi32> to vector<1x1024xi32>
    %lt3A_124 = arith.constant 6 : i32
    %lt3A_125 = arith.cmpi slt, %lt3A_124, %arg0 : i32
    %jit3A_126 = arith.constant 1 : i32
    %jit3A_127 = arith.constant 0 : i32
    %select_n3A_128 = arith.select %lt3A_125, %jit3A_126, %jit3A_127 : i32
    %add3A_129 = vector.broadcast %select_n3A_128 : i32 to vector<1024x1xi32>
    %add3A_130 = arith.addi %get3A_1, %add3A_129 : vector<1024x1xi32>
    %lt3A_131 = vector.broadcast %get3A_123 : vector<1x1024xi32> to vector<1024x1024xi32>
    %lt3A_132 = vector.broadcast %add3A_130 : vector<1024x1xi32> to vector<1024x1024xi32>
    %lt3A_133 = arith.cmpi slt, %lt3A_131, %lt3A_132 : vector<1024x1024xi32>
    %convert_element_type3A_134 = arith.extui %lt3A_133 : vector<1024x1024xi1> to vector<1024x1024xi32>
    %convert_element_type3A_135 = arith.sitofp %convert_element_type3A_134 : vector<1024x1024xi32> to vector<1024x1024xf32>
    %dot_general3A_136 = arith.constant dense<0.000000e+00> : vector<1024x1xf32>
    %dot_general3A_137 = tpu.matmul %convert_element_type3A_135, %broadcast_in_dim3A_2, %dot_general3A_136 {dimension_numbers = #tpu.dot_dimension_numbers<[1], [0], [0], [1], [0, 0, 1, 1], [], []>, transpose_lhs_hint = false} : vector<1024x1024xf32>, vector<1024x1xf32>, vector<1024x1xf32> -> vector<1024x1xf32>
    %add3A_138 = arith.addf %add3A_118, %dot_general3A_137 : vector<1024x1xf32>
    %get3A_139 = arith.constant 7 : index
    %get3A_140 = arith.constant 0 : index
    %get3A_141 = arith.constant 0 : index
    %get3A_142 = vector.load %arg2[%get3A_139, %get3A_140, %get3A_141] : memref<16x1x1024xi32, #tpu.memory_space<vmem>>, vector<1x1x1024xi32>
    %get3A_143 = vector.shape_cast %get3A_142 : vector<1x1x1024xi32> to vector<1x1024xi32>
    %lt3A_144 = arith.constant 7 : i32
    %lt3A_145 = arith.cmpi slt, %lt3A_144, %arg0 : i32
    %jit3A_146 = arith.constant 1 : i32
    %jit3A_147 = arith.constant 0 : i32
    %select_n3A_148 = arith.select %lt3A_145, %jit3A_146, %jit3A_147 : i32
    %add3A_149 = vector.broadcast %select_n3A_148 : i32 to vector<1024x1xi32>
    %add3A_150 = arith.addi %get3A_1, %add3A_149 : vector<1024x1xi32>
    %lt3A_151 = vector.broadcast %get3A_143 : vector<1x1024xi32> to vector<1024x1024xi32>
    %lt3A_152 = vector.broadcast %add3A_150 : vector<1024x1xi32> to vector<1024x1024xi32>
    %lt3A_153 = arith.cmpi slt, %lt3A_151, %lt3A_152 : vector<1024x1024xi32>
    %convert_element_type3A_154 = arith.extui %lt3A_153 : vector<1024x1024xi1> to vector<1024x1024xi32>
    %convert_element_type3A_155 = arith.sitofp %convert_element_type3A_154 : vector<1024x1024xi32> to vector<1024x1024xf32>
    %dot_general3A_156 = arith.constant dense<0.000000e+00> : vector<1024x1xf32>
    %dot_general3A_157 = tpu.matmul %convert_element_type3A_155, %broadcast_in_dim3A_2, %dot_general3A_156 {dimension_numbers = #tpu.dot_dimension_numbers<[1], [0], [0], [1], [0, 0, 1, 1], [], []>, transpose_lhs_hint = false} : vector<1024x1024xf32>, vector<1024x1xf32>, vector<1024x1xf32> -> vector<1024x1xf32>
    %add3A_158 = arith.addf %add3A_138, %dot_general3A_157 : vector<1024x1xf32>
    %get3A_159 = arith.constant 8 : index
    %get3A_160 = arith.constant 0 : index
    %get3A_161 = arith.constant 0 : index
    %get3A_162 = vector.load %arg2[%get3A_159, %get3A_160, %get3A_161] : memref<16x1x1024xi32, #tpu.memory_space<vmem>>, vector<1x1x1024xi32>
    %get3A_163 = vector.shape_cast %get3A_162 : vector<1x1x1024xi32> to vector<1x1024xi32>
    %lt3A_164 = arith.constant 8 : i32
    %lt3A_165 = arith.cmpi slt, %lt3A_164, %arg0 : i32
    %jit3A_166 = arith.constant 1 : i32
    %jit3A_167 = arith.constant 0 : i32
    %select_n3A_168 = arith.select %lt3A_165, %jit3A_166, %jit3A_167 : i32
    %add3A_169 = vector.broadcast %select_n3A_168 : i32 to vector<1024x1xi32>
    %add3A_170 = arith.addi %get3A_1, %add3A_169 : vector<1024x1xi32>
    %lt3A_171 = vector.broadcast %get3A_163 : vector<1x1024xi32> to vector<1024x1024xi32>
    %lt3A_172 = vector.broadcast %add3A_170 : vector<1024x1xi32> to vector<1024x1024xi32>
    %lt3A_173 = arith.cmpi slt, %lt3A_171, %lt3A_172 : vector<1024x1024xi32>
    %convert_element_type3A_174 = arith.extui %lt3A_173 : vector<1024x1024xi1> to vector<1024x1024xi32>
    %convert_element_type3A_175 = arith.sitofp %convert_element_type3A_174 : vector<1024x1024xi32> to vector<1024x1024xf32>
    %dot_general3A_176 = arith.constant dense<0.000000e+00> : vector<1024x1xf32>
    %dot_general3A_177 = tpu.matmul %convert_element_type3A_175, %broadcast_in_dim3A_2, %dot_general3A_176 {dimension_numbers = #tpu.dot_dimension_numbers<[1], [0], [0], [1], [0, 0, 1, 1], [], []>, transpose_lhs_hint = false} : vector<1024x1024xf32>, vector<1024x1xf32>, vector<1024x1xf32> -> vector<1024x1xf32>
    %add3A_178 = arith.addf %add3A_158, %dot_general3A_177 : vector<1024x1xf32>
    %get3A_179 = arith.constant 9 : index
    %get3A_180 = arith.constant 0 : index
    %get3A_181 = arith.constant 0 : index
    %get3A_182 = vector.load %arg2[%get3A_179, %get3A_180, %get3A_181] : memref<16x1x1024xi32, #tpu.memory_space<vmem>>, vector<1x1x1024xi32>
    %get3A_183 = vector.shape_cast %get3A_182 : vector<1x1x1024xi32> to vector<1x1024xi32>
    %lt3A_184 = arith.constant 9 : i32
    %lt3A_185 = arith.cmpi slt, %lt3A_184, %arg0 : i32
    %jit3A_186 = arith.constant 1 : i32
    %jit3A_187 = arith.constant 0 : i32
    %select_n3A_188 = arith.select %lt3A_185, %jit3A_186, %jit3A_187 : i32
    %add3A_189 = vector.broadcast %select_n3A_188 : i32 to vector<1024x1xi32>
    %add3A_190 = arith.addi %get3A_1, %add3A_189 : vector<1024x1xi32>
    %lt3A_191 = vector.broadcast %get3A_183 : vector<1x1024xi32> to vector<1024x1024xi32>
    %lt3A_192 = vector.broadcast %add3A_190 : vector<1024x1xi32> to vector<1024x1024xi32>
    %lt3A_193 = arith.cmpi slt, %lt3A_191, %lt3A_192 : vector<1024x1024xi32>
    %convert_element_type3A_194 = arith.extui %lt3A_193 : vector<1024x1024xi1> to vector<1024x1024xi32>
    %convert_element_type3A_195 = arith.sitofp %convert_element_type3A_194 : vector<1024x1024xi32> to vector<1024x1024xf32>
    %dot_general3A_196 = arith.constant dense<0.000000e+00> : vector<1024x1xf32>
    %dot_general3A_197 = tpu.matmul %convert_element_type3A_195, %broadcast_in_dim3A_2, %dot_general3A_196 {dimension_numbers = #tpu.dot_dimension_numbers<[1], [0], [0], [1], [0, 0, 1, 1], [], []>, transpose_lhs_hint = false} : vector<1024x1024xf32>, vector<1024x1xf32>, vector<1024x1xf32> -> vector<1024x1xf32>
    %add3A_198 = arith.addf %add3A_178, %dot_general3A_197 : vector<1024x1xf32>
    %get3A_199 = arith.constant 10 : index
    %get3A_200 = arith.constant 0 : index
    %get3A_201 = arith.constant 0 : index
    %get3A_202 = vector.load %arg2[%get3A_199, %get3A_200, %get3A_201] : memref<16x1x1024xi32, #tpu.memory_space<vmem>>, vector<1x1x1024xi32>
    %get3A_203 = vector.shape_cast %get3A_202 : vector<1x1x1024xi32> to vector<1x1024xi32>
    %lt3A_204 = arith.constant 10 : i32
    %lt3A_205 = arith.cmpi slt, %lt3A_204, %arg0 : i32
    %jit3A_206 = arith.constant 1 : i32
    %jit3A_207 = arith.constant 0 : i32
    %select_n3A_208 = arith.select %lt3A_205, %jit3A_206, %jit3A_207 : i32
    %add3A_209 = vector.broadcast %select_n3A_208 : i32 to vector<1024x1xi32>
    %add3A_210 = arith.addi %get3A_1, %add3A_209 : vector<1024x1xi32>
    %lt3A_211 = vector.broadcast %get3A_203 : vector<1x1024xi32> to vector<1024x1024xi32>
    %lt3A_212 = vector.broadcast %add3A_210 : vector<1024x1xi32> to vector<1024x1024xi32>
    %lt3A_213 = arith.cmpi slt, %lt3A_211, %lt3A_212 : vector<1024x1024xi32>
    %convert_element_type3A_214 = arith.extui %lt3A_213 : vector<1024x1024xi1> to vector<1024x1024xi32>
    %convert_element_type3A_215 = arith.sitofp %convert_element_type3A_214 : vector<1024x1024xi32> to vector<1024x1024xf32>
    %dot_general3A_216 = arith.constant dense<0.000000e+00> : vector<1024x1xf32>
    %dot_general3A_217 = tpu.matmul %convert_element_type3A_215, %broadcast_in_dim3A_2, %dot_general3A_216 {dimension_numbers = #tpu.dot_dimension_numbers<[1], [0], [0], [1], [0, 0, 1, 1], [], []>, transpose_lhs_hint = false} : vector<1024x1024xf32>, vector<1024x1xf32>, vector<1024x1xf32> -> vector<1024x1xf32>
    %add3A_218 = arith.addf %add3A_198, %dot_general3A_217 : vector<1024x1xf32>
    %get3A_219 = arith.constant 11 : index
    %get3A_220 = arith.constant 0 : index
    %get3A_221 = arith.constant 0 : index
    %get3A_222 = vector.load %arg2[%get3A_219, %get3A_220, %get3A_221] : memref<16x1x1024xi32, #tpu.memory_space<vmem>>, vector<1x1x1024xi32>
    %get3A_223 = vector.shape_cast %get3A_222 : vector<1x1x1024xi32> to vector<1x1024xi32>
    %lt3A_224 = arith.constant 11 : i32
    %lt3A_225 = arith.cmpi slt, %lt3A_224, %arg0 : i32
    %jit3A_226 = arith.constant 1 : i32
    %jit3A_227 = arith.constant 0 : i32
    %select_n3A_228 = arith.select %lt3A_225, %jit3A_226, %jit3A_227 : i32
    %add3A_229 = vector.broadcast %select_n3A_228 : i32 to vector<1024x1xi32>
    %add3A_230 = arith.addi %get3A_1, %add3A_229 : vector<1024x1xi32>
    %lt3A_231 = vector.broadcast %get3A_223 : vector<1x1024xi32> to vector<1024x1024xi32>
    %lt3A_232 = vector.broadcast %add3A_230 : vector<1024x1xi32> to vector<1024x1024xi32>
    %lt3A_233 = arith.cmpi slt, %lt3A_231, %lt3A_232 : vector<1024x1024xi32>
    %convert_element_type3A_234 = arith.extui %lt3A_233 : vector<1024x1024xi1> to vector<1024x1024xi32>
    %convert_element_type3A_235 = arith.sitofp %convert_element_type3A_234 : vector<1024x1024xi32> to vector<1024x1024xf32>
    %dot_general3A_236 = arith.constant dense<0.000000e+00> : vector<1024x1xf32>
    %dot_general3A_237 = tpu.matmul %convert_element_type3A_235, %broadcast_in_dim3A_2, %dot_general3A_236 {dimension_numbers = #tpu.dot_dimension_numbers<[1], [0], [0], [1], [0, 0, 1, 1], [], []>, transpose_lhs_hint = false} : vector<1024x1024xf32>, vector<1024x1xf32>, vector<1024x1xf32> -> vector<1024x1xf32>
    %add3A_238 = arith.addf %add3A_218, %dot_general3A_237 : vector<1024x1xf32>
    %get3A_239 = arith.constant 12 : index
    %get3A_240 = arith.constant 0 : index
    %get3A_241 = arith.constant 0 : index
    %get3A_242 = vector.load %arg2[%get3A_239, %get3A_240, %get3A_241] : memref<16x1x1024xi32, #tpu.memory_space<vmem>>, vector<1x1x1024xi32>
    %get3A_243 = vector.shape_cast %get3A_242 : vector<1x1x1024xi32> to vector<1x1024xi32>
    %lt3A_244 = arith.constant 12 : i32
    %lt3A_245 = arith.cmpi slt, %lt3A_244, %arg0 : i32
    %jit3A_246 = arith.constant 1 : i32
    %jit3A_247 = arith.constant 0 : i32
    %select_n3A_248 = arith.select %lt3A_245, %jit3A_246, %jit3A_247 : i32
    %add3A_249 = vector.broadcast %select_n3A_248 : i32 to vector<1024x1xi32>
    %add3A_250 = arith.addi %get3A_1, %add3A_249 : vector<1024x1xi32>
    %lt3A_251 = vector.broadcast %get3A_243 : vector<1x1024xi32> to vector<1024x1024xi32>
    %lt3A_252 = vector.broadcast %add3A_250 : vector<1024x1xi32> to vector<1024x1024xi32>
    %lt3A_253 = arith.cmpi slt, %lt3A_251, %lt3A_252 : vector<1024x1024xi32>
    %convert_element_type3A_254 = arith.extui %lt3A_253 : vector<1024x1024xi1> to vector<1024x1024xi32>
    %convert_element_type3A_255 = arith.sitofp %convert_element_type3A_254 : vector<1024x1024xi32> to vector<1024x1024xf32>
    %dot_general3A_256 = arith.constant dense<0.000000e+00> : vector<1024x1xf32>
    %dot_general3A_257 = tpu.matmul %convert_element_type3A_255, %broadcast_in_dim3A_2, %dot_general3A_256 {dimension_numbers = #tpu.dot_dimension_numbers<[1], [0], [0], [1], [0, 0, 1, 1], [], []>, transpose_lhs_hint = false} : vector<1024x1024xf32>, vector<1024x1xf32>, vector<1024x1xf32> -> vector<1024x1xf32>
    %add3A_258 = arith.addf %add3A_238, %dot_general3A_257 : vector<1024x1xf32>
    %get3A_259 = arith.constant 13 : index
    %get3A_260 = arith.constant 0 : index
    %get3A_261 = arith.constant 0 : index
    %get3A_262 = vector.load %arg2[%get3A_259, %get3A_260, %get3A_261] : memref<16x1x1024xi32, #tpu.memory_space<vmem>>, vector<1x1x1024xi32>
    %get3A_263 = vector.shape_cast %get3A_262 : vector<1x1x1024xi32> to vector<1x1024xi32>
    %lt3A_264 = arith.constant 13 : i32
    %lt3A_265 = arith.cmpi slt, %lt3A_264, %arg0 : i32
    %jit3A_266 = arith.constant 1 : i32
    %jit3A_267 = arith.constant 0 : i32
    %select_n3A_268 = arith.select %lt3A_265, %jit3A_266, %jit3A_267 : i32
    %add3A_269 = vector.broadcast %select_n3A_268 : i32 to vector<1024x1xi32>
    %add3A_270 = arith.addi %get3A_1, %add3A_269 : vector<1024x1xi32>
    %lt3A_271 = vector.broadcast %get3A_263 : vector<1x1024xi32> to vector<1024x1024xi32>
    %lt3A_272 = vector.broadcast %add3A_270 : vector<1024x1xi32> to vector<1024x1024xi32>
    %lt3A_273 = arith.cmpi slt, %lt3A_271, %lt3A_272 : vector<1024x1024xi32>
    %convert_element_type3A_274 = arith.extui %lt3A_273 : vector<1024x1024xi1> to vector<1024x1024xi32>
    %convert_element_type3A_275 = arith.sitofp %convert_element_type3A_274 : vector<1024x1024xi32> to vector<1024x1024xf32>
    %dot_general3A_276 = arith.constant dense<0.000000e+00> : vector<1024x1xf32>
    %dot_general3A_277 = tpu.matmul %convert_element_type3A_275, %broadcast_in_dim3A_2, %dot_general3A_276 {dimension_numbers = #tpu.dot_dimension_numbers<[1], [0], [0], [1], [0, 0, 1, 1], [], []>, transpose_lhs_hint = false} : vector<1024x1024xf32>, vector<1024x1xf32>, vector<1024x1xf32> -> vector<1024x1xf32>
    %add3A_278 = arith.addf %add3A_258, %dot_general3A_277 : vector<1024x1xf32>
    %get3A_279 = arith.constant 14 : index
    %get3A_280 = arith.constant 0 : index
    %get3A_281 = arith.constant 0 : index
    %get3A_282 = vector.load %arg2[%get3A_279, %get3A_280, %get3A_281] : memref<16x1x1024xi32, #tpu.memory_space<vmem>>, vector<1x1x1024xi32>
    %get3A_283 = vector.shape_cast %get3A_282 : vector<1x1x1024xi32> to vector<1x1024xi32>
    %lt3A_284 = arith.constant 14 : i32
    %lt3A_285 = arith.cmpi slt, %lt3A_284, %arg0 : i32
    %jit3A_286 = arith.constant 1 : i32
    %jit3A_287 = arith.constant 0 : i32
    %select_n3A_288 = arith.select %lt3A_285, %jit3A_286, %jit3A_287 : i32
    %add3A_289 = vector.broadcast %select_n3A_288 : i32 to vector<1024x1xi32>
    %add3A_290 = arith.addi %get3A_1, %add3A_289 : vector<1024x1xi32>
    %lt3A_291 = vector.broadcast %get3A_283 : vector<1x1024xi32> to vector<1024x1024xi32>
    %lt3A_292 = vector.broadcast %add3A_290 : vector<1024x1xi32> to vector<1024x1024xi32>
    %lt3A_293 = arith.cmpi slt, %lt3A_291, %lt3A_292 : vector<1024x1024xi32>
    %convert_element_type3A_294 = arith.extui %lt3A_293 : vector<1024x1024xi1> to vector<1024x1024xi32>
    %convert_element_type3A_295 = arith.sitofp %convert_element_type3A_294 : vector<1024x1024xi32> to vector<1024x1024xf32>
    %dot_general3A_296 = arith.constant dense<0.000000e+00> : vector<1024x1xf32>
    %dot_general3A_297 = tpu.matmul %convert_element_type3A_295, %broadcast_in_dim3A_2, %dot_general3A_296 {dimension_numbers = #tpu.dot_dimension_numbers<[1], [0], [0], [1], [0, 0, 1, 1], [], []>, transpose_lhs_hint = false} : vector<1024x1024xf32>, vector<1024x1xf32>, vector<1024x1xf32> -> vector<1024x1xf32>
    %add3A_298 = arith.addf %add3A_278, %dot_general3A_297 : vector<1024x1xf32>
    %get3A_299 = arith.constant 15 : index
    %get3A_300 = arith.constant 0 : index
    %get3A_301 = arith.constant 0 : index
    %get3A_302 = vector.load %arg2[%get3A_299, %get3A_300, %get3A_301] : memref<16x1x1024xi32, #tpu.memory_space<vmem>>, vector<1x1x1024xi32>
    %get3A_303 = vector.shape_cast %get3A_302 : vector<1x1x1024xi32> to vector<1x1024xi32>
    %lt3A_304 = arith.constant 15 : i32
    %lt3A_305 = arith.cmpi slt, %lt3A_304, %arg0 : i32
    %jit3A_306 = arith.constant 1 : i32
    %jit3A_307 = arith.constant 0 : i32
    %select_n3A_308 = arith.select %lt3A_305, %jit3A_306, %jit3A_307 : i32
    %add3A_309 = vector.broadcast %select_n3A_308 : i32 to vector<1024x1xi32>
    %add3A_310 = arith.addi %get3A_1, %add3A_309 : vector<1024x1xi32>
    %lt3A_311 = vector.broadcast %get3A_303 : vector<1x1024xi32> to vector<1024x1024xi32>
    %lt3A_312 = vector.broadcast %add3A_310 : vector<1024x1xi32> to vector<1024x1024xi32>
    %lt3A_313 = arith.cmpi slt, %lt3A_311, %lt3A_312 : vector<1024x1024xi32>
    %convert_element_type3A_314 = arith.extui %lt3A_313 : vector<1024x1024xi1> to vector<1024x1024xi32>
    %convert_element_type3A_315 = arith.sitofp %convert_element_type3A_314 : vector<1024x1024xi32> to vector<1024x1024xf32>
    %dot_general3A_316 = arith.constant dense<0.000000e+00> : vector<1024x1xf32>
    %dot_general3A_317 = tpu.matmul %convert_element_type3A_315, %broadcast_in_dim3A_2, %dot_general3A_316 {dimension_numbers = #tpu.dot_dimension_numbers<[1], [0], [0], [1], [0, 0, 1, 1], [], []>, transpose_lhs_hint = false} : vector<1024x1024xf32>, vector<1024x1xf32>, vector<1024x1xf32> -> vector<1024x1xf32>
    %add3A_318 = arith.addf %add3A_298, %dot_general3A_317 : vector<1024x1xf32>
    %get3A_319 = arith.index_cast %arg0 : i32 to index
    %get3A_320 = arith.constant 0 : index
    %get3A_321 = arith.constant 0 : index
    %get3A_322 = vector.load %arg2[%get3A_319, %get3A_320, %get3A_321] : memref<16x1x1024xi32, #tpu.memory_space<vmem>>, vector<1x1x1024xi32>
    %get3A_323 = vector.shape_cast %get3A_322 : vector<1x1x1024xi32> to vector<1x1024xi32>
    %iota3A = tpu.iota {dimensions = array<i32: 1>} : vector<1x1024xi32>
    %iota3A_324 = tpu.iota {dimensions = array<i32: 0>} : vector<1024x1xi32>
    %lt3A_325 = vector.broadcast %iota3A : vector<1x1024xi32> to vector<1024x1024xi32>
    %lt3A_326 = vector.broadcast %iota3A_324 : vector<1024x1xi32> to vector<1024x1024xi32>
    %lt3A_327 = arith.cmpi slt, %lt3A_325, %lt3A_326 : vector<1024x1024xi32>
    %eq3A = vector.broadcast %get3A_323 : vector<1x1024xi32> to vector<1024x1024xi32>
    %eq3A_328 = vector.broadcast %get3A_1 : vector<1024x1xi32> to vector<1024x1024xi32>
    %eq3A_329 = arith.cmpi eq, %eq3A, %eq3A_328 : vector<1024x1024xi32>
    %and3A = arith.andi %eq3A_329, %lt3A_327 : vector<1024x1024xi1>
    %convert_element_type3A_330 = arith.extui %and3A : vector<1024x1024xi1> to vector<1024x1024xi32>
    %convert_element_type3A_331 = arith.sitofp %convert_element_type3A_330 : vector<1024x1024xi32> to vector<1024x1024xf32>
    %dot_general3A_332 = arith.constant dense<0.000000e+00> : vector<1024x1xf32>
    %dot_general3A_333 = tpu.matmul %convert_element_type3A_331, %broadcast_in_dim3A_2, %dot_general3A_332 {dimension_numbers = #tpu.dot_dimension_numbers<[1], [0], [0], [1], [0, 0, 1, 1], [], []>, transpose_lhs_hint = false} : vector<1024x1024xf32>, vector<1024x1xf32>, vector<1024x1xf32> -> vector<1024x1xf32>
    %add3A_334 = arith.addf %add3A_318, %dot_general3A_333 : vector<1024x1xf32>
    %convert_element_type3A_335 = arith.fptosi %add3A_334 : vector<1024x1xf32> to vector<1024x1xi32>
    %swap3A = arith.constant 0 : index
    %swap3A_336 = arith.constant 0 : index
    %swap3A_337 = vector.load %arg3[%swap3A, %swap3A_336] : memref<1024x1xi32, #tpu.memory_space<vmem>>, vector<1024x1xi32>
    tpu.vector_store %arg3[%swap3A, %swap3A_336], %convert_element_type3A_335 {strides = array<i32>} : memref<1024x1xi32, #tpu.memory_space<vmem>>, vector<1024x1xi32>,
    return
  }
  func.func @transform_0(%arg0: i32) -> (i32, i32) {
    %c0_i32 = arith.constant 0 : i32
    %c0_i32_0 = arith.constant 0 : i32
    return %arg0, %c0_i32 : i32, i32
  }
  func.func @transform_1(%arg0: i32) -> (i32, i32, i32) {
    %c0_i32 = arith.constant 0 : i32
    %c0_i32_0 = arith.constant 0 : i32
    %c0_i32_1 = arith.constant 0 : i32
    %c0_i32_2 = arith.constant 0 : i32
    return %c0_i32, %c0_i32_0, %c0_i32_1 : i32, i32, i32
  }
  func.func @transform_2(%arg0: i32) -> (i32, i32) {
    %c0_i32 = arith.constant 0 : i32
    %c0_i32_0 = arith.constant 0 : i32
    return %arg0, %c0_i32 : i32, i32
  }
}

module attributes {stable_mosaic.version = 14 : i64} {
  func.func @_children_body(%arg0: i32, %arg1: memref<1x1024xi32, #tpu.memory_space<vmem>>, %arg2: memref<512x1xi32, #tpu.memory_space<vmem>>, %arg3: memref<512x1xi32, #tpu.memory_space<vmem>>, %arg4: memref<512x1xi32, #tpu.memory_space<vmem>>, %arg5: memref<512x32xi32, #tpu.memory_space<vmem>>, %arg6: memref<512x32xi32, #tpu.memory_space<vmem>>, %arg7: memref<32x512xf32, #tpu.memory_space<vmem>>, %arg8: memref<512x512xf32, #tpu.memory_space<vmem>>, %arg9: memref<1x1xf32, #tpu.memory_space<smem>>, %arg10: memref<512x512xf32, #tpu.memory_space<vmem>>) attributes {dimension_semantics = [#tpu.dimension_semantics<arbitrary>], iteration_bounds = array<i64: 30>, scalar_prefetch = 0 : i64, scratch_operands = 0 : i64, tpu.core_type = #tpu.core_type<tc>, window_params = [{pipeline_mode = #tpu.pipeline_mode<synchronous>, transform_indices = @transform_0, window_bounds = array<i64: 1, 1024>}, {transform_indices = @transform_1, window_bounds = array<i64: 512, 1>}, {transform_indices = @transform_2, window_bounds = array<i64: 512, 1>}, {transform_indices = @transform_3, window_bounds = array<i64: 512, 1>}, {transform_indices = @transform_4, window_bounds = array<i64: 512, 32>}, {transform_indices = @transform_5, window_bounds = array<i64: 512, 32>}, {pipeline_mode = #tpu.pipeline_mode<synchronous>, transform_indices = @transform_6, window_bounds = array<i64: 32, 512>}, {transform_indices = @transform_7, window_bounds = array<i64: 512, 512>}, {transform_indices = @transform_8, window_bounds = array<i64: 1, 1>}, {transform_indices = @transform_9, window_bounds = array<i64: 512, 512>}]} {
    %get3A = arith.constant 0 : index
    %get3A_0 = arith.constant 0 : index
    %get3A_1 = vector.load %arg1[%get3A, %get3A_0] : memref<1x1024xi32, #tpu.memory_space<vmem>>, vector<1x1024xi32>
    %iota3A = tpu.iota {dimensions = array<i32: 1>} : vector<1x1024xi32>
    %get3A_2 = arith.constant 0 : index
    %get3A_3 = arith.constant 0 : index
    %get3A_4 = vector.load %arg2[%get3A_2, %get3A_3] : memref<512x1xi32, #tpu.memory_space<vmem>>, vector<512x1xi32>
    %get3A_5 = arith.constant 0 : index
    %get3A_6 = arith.constant 0 : index
    %get3A_7 = vector.load %arg3[%get3A_5, %get3A_6] : memref<512x1xi32, #tpu.memory_space<vmem>>, vector<512x1xi32>
    %eq3A = vector.broadcast %iota3A : vector<1x1024xi32> to vector<512x1024xi32>
    %eq3A_8 = vector.broadcast %get3A_4 : vector<512x1xi32> to vector<512x1024xi32>
    %eq3A_9 = arith.cmpi eq, %eq3A, %eq3A_8 : vector<512x1024xi32>
    %jit3A = arith.constant -1 : i32
    %broadcast_in_dim3A = vector.shape_cast %get3A_1 : vector<1x1024xi32> to vector<1x1024xi32>
    %broadcast_in_dim3A_10 = vector.broadcast %broadcast_in_dim3A : vector<1x1024xi32> to vector<512x1024xi32>
    %broadcast_in_dim3A_11 = vector.broadcast %jit3A : i32 to vector<512x1024xi32>
    %select_n3A = arith.select %eq3A_9, %broadcast_in_dim3A_10, %broadcast_in_dim3A_11 : vector<512x1024xi1>, vector<512x1024xi32>
    %reduce_max3A = arith.constant dense<-2147483648> : vector<512xi32>
    %reduce_max3A_12 = vector.multi_reduction <maxsi>, %select_n3A, %reduce_max3A [1] : vector<512x1024xi32> to vector<512xi32>
    %broadcast_in_dim3A_13 = vector.shape_cast %reduce_max3A_12 : vector<512xi32> to vector<512x1xi32>
    %eq3A_14 = vector.broadcast %iota3A : vector<1x1024xi32> to vector<512x1024xi32>
    %eq3A_15 = vector.broadcast %get3A_7 : vector<512x1xi32> to vector<512x1024xi32>
    %eq3A_16 = arith.cmpi eq, %eq3A_14, %eq3A_15 : vector<512x1024xi32>
    %jit3A_17 = arith.constant -1 : i32
    %broadcast_in_dim3A_18 = vector.shape_cast %get3A_1 : vector<1x1024xi32> to vector<1x1024xi32>
    %broadcast_in_dim3A_19 = vector.broadcast %broadcast_in_dim3A_18 : vector<1x1024xi32> to vector<512x1024xi32>
    %broadcast_in_dim3A_20 = vector.broadcast %jit3A_17 : i32 to vector<512x1024xi32>
    %select_n3A_21 = arith.select %eq3A_16, %broadcast_in_dim3A_19, %broadcast_in_dim3A_20 : vector<512x1024xi1>, vector<512x1024xi32>
    %reduce_max3A_22 = arith.constant dense<-2147483648> : vector<512xi32>
    %reduce_max3A_23 = vector.multi_reduction <maxsi>, %select_n3A_21, %reduce_max3A_22 [1] : vector<512x1024xi32> to vector<512xi32>
    %broadcast_in_dim3A_24 = vector.shape_cast %reduce_max3A_23 : vector<512xi32> to vector<512x1xi32>
    %get3A_25 = arith.constant 0 : index
    %get3A_26 = arith.constant 0 : index
    %get3A_27 = vector.load %arg4[%get3A_25, %get3A_26] : memref<512x1xi32, #tpu.memory_space<vmem>>, vector<512x1xi32>
    %get3A_28 = arith.constant 0 : index
    %get3A_29 = arith.constant 0 : index
    %get3A_30 = vector.load %arg5[%get3A_28, %get3A_29] : memref<512x32xi32, #tpu.memory_space<vmem>>, vector<512x32xi32>
    %get3A_31 = arith.constant 0 : index
    %get3A_32 = arith.constant 0 : index
    %get3A_33 = vector.load %arg6[%get3A_31, %get3A_32] : memref<512x32xi32, #tpu.memory_space<vmem>>, vector<512x32xi32>
    %ge3A = vector.broadcast %broadcast_in_dim3A_13 : vector<512x1xi32> to vector<512x32xi32>
    %ge3A_34 = arith.cmpi sge, %get3A_30, %ge3A : vector<512x32xi32>
    %jit3A_35 = arith.constant 64 : i32
    %broadcast_in_dim3A_36 = vector.broadcast %jit3A_35 : i32 to vector<512x32xi32>
    %select_n3A_37 = arith.select %ge3A_34, %get3A_33, %broadcast_in_dim3A_36 : vector<512x32xi1>, vector<512x32xi32>
    %reduce_min3A = arith.constant dense<2147483647> : vector<512xi32>
    %reduce_min3A_38 = vector.multi_reduction <minsi>, %select_n3A_37, %reduce_min3A [1] : vector<512x32xi32> to vector<512xi32>
    %broadcast_in_dim3A_39 = vector.shape_cast %reduce_min3A_38 : vector<512xi32> to vector<512x1xi32>
    %eq3A_40 = arith.cmpi eq, %broadcast_in_dim3A_39, %get3A_27 : vector<512x1xi32>
    %select_n3A_41 = arith.select %eq3A_40, %broadcast_in_dim3A_24, %broadcast_in_dim3A_13 : vector<512x1xi1>, vector<512x1xi32>
    %ge3A_42 = vector.broadcast %select_n3A_41 : vector<512x1xi32> to vector<512x32xi32>
    %ge3A_43 = arith.cmpi sge, %get3A_30, %ge3A_42 : vector<512x32xi32>
    %ne3A = vector.broadcast %broadcast_in_dim3A_39 : vector<512x1xi32> to vector<512x32xi32>
    %ne3A_44 = arith.cmpi ne, %get3A_33, %ne3A : vector<512x32xi32>
    %and3A = arith.andi %ge3A_43, %ne3A_44 : vector<512x32xi1>
    %jit3A_45 = arith.constant 64 : i32
    %broadcast_in_dim3A_46 = vector.broadcast %jit3A_45 : i32 to vector<512x32xi32>
    %select_n3A_47 = arith.select %and3A, %get3A_33, %broadcast_in_dim3A_46 : vector<512x32xi1>, vector<512x32xi32>
    %reduce_min3A_48 = arith.constant dense<2147483647> : vector<512xi32>
    %reduce_min3A_49 = vector.multi_reduction <minsi>, %select_n3A_47, %reduce_min3A_48 [1] : vector<512x32xi32> to vector<512xi32>
    %broadcast_in_dim3A_50 = vector.shape_cast %reduce_min3A_49 : vector<512xi32> to vector<512x1xi32>
    %iota3A_51 = tpu.iota {dimensions = array<i32: 1>} : vector<512x32xi32>
    %eq3A_52 = vector.broadcast %broadcast_in_dim3A_39 : vector<512x1xi32> to vector<512x32xi32>
    %eq3A_53 = arith.cmpi eq, %iota3A_51, %eq3A_52 : vector<512x32xi32>
    %convert_element_type3A = arith.extui %eq3A_53 : vector<512x32xi1> to vector<512x32xi32>
    %convert_element_type3A_54 = arith.sitofp %convert_element_type3A : vector<512x32xi32> to vector<512x32xf32>
    %eq3A_55 = vector.broadcast %broadcast_in_dim3A_50 : vector<512x1xi32> to vector<512x32xi32>
    %eq3A_56 = arith.cmpi eq, %iota3A_51, %eq3A_55 : vector<512x32xi32>
    %convert_element_type3A_57 = arith.extui %eq3A_56 : vector<512x32xi1> to vector<512x32xi32>
    %convert_element_type3A_58 = arith.sitofp %convert_element_type3A_57 : vector<512x32xi32> to vector<512x32xf32>
    %get3A_59 = arith.constant 0 : index
    %get3A_60 = arith.constant 0 : index
    %get3A_61 = vector.load %arg7[%get3A_59, %get3A_60] : memref<32x512xf32, #tpu.memory_space<vmem>>, vector<32x512xf32>
    %dot_general3A = arith.constant dense<0.000000e+00> : vector<512x512xf32>
    %dot_general3A_62 = tpu.matmul %convert_element_type3A_54, %get3A_61, %dot_general3A {dimension_numbers = #tpu.dot_dimension_numbers<[1], [0], [0], [1], [0, 0, 1, 1], [], []>, precision = #tpu.contract_precision<fp32>, transpose_lhs_hint = false} : vector<512x32xf32>, vector<32x512xf32>, vector<512x512xf32> -> vector<512x512xf32>
    %dot_general3A_63 = arith.constant dense<0.000000e+00> : vector<512x512xf32>
    %dot_general3A_64 = tpu.matmul %convert_element_type3A_58, %get3A_61, %dot_general3A_63 {dimension_numbers = #tpu.dot_dimension_numbers<[1], [0], [0], [1], [0, 0, 1, 1], [], []>, precision = #tpu.contract_precision<fp32>, transpose_lhs_hint = false} : vector<512x32xf32>, vector<32x512xf32>, vector<512x512xf32> -> vector<512x512xf32>
    %get3A_65 = arith.constant 0 : index
    %get3A_66 = arith.constant 0 : index
    %get3A_67 = memref.load %arg9[%get3A_65, %get3A_66] : memref<1x1xf32, #tpu.memory_space<smem>>
    %get3A_68 = arith.constant 0 : index
    %get3A_69 = arith.constant 0 : index
    %get3A_70 = vector.load %arg8[%get3A_68, %get3A_69] : memref<512x512xf32, #tpu.memory_space<vmem>>, vector<512x512xf32>
    %div3A = vector.broadcast %get3A_67 : f32 to vector<512x512xf32>
    %div3A_71 = arith.divf %get3A_70, %div3A : vector<512x512xf32>
    %neg3A = arith.constant 0.000000e+00 : f32
    %neg3A_72 = vector.broadcast %neg3A : f32 to vector<512x512xf32>
    %neg3A_73 = arith.subf %neg3A_72, %div3A_71 : vector<512x512xf32>
    %exp3A = math.exp %neg3A_73 : vector<512x512xf32>
    %add3A = arith.constant 1.000000e+00 : f32
    %add3A_74 = vector.broadcast %add3A : f32 to vector<512x512xf32>
    %add3A_75 = arith.addf %add3A_74, %exp3A : vector<512x512xf32>
    %div3A_76 = arith.constant 1.000000e+00 : f32
    %div3A_77 = vector.broadcast %div3A_76 : f32 to vector<512x512xf32>
    %div3A_78 = arith.divf %div3A_77, %add3A_75 : vector<512x512xf32>
    %sub3A = arith.subf %dot_general3A_64, %dot_general3A_62 : vector<512x512xf32>
    %mul3A = arith.mulf %sub3A, %div3A_78 : vector<512x512xf32>
    %add3A_79 = arith.addf %dot_general3A_62, %mul3A : vector<512x512xf32>
    %mul3A_80 = arith.mulf %add3A_79, %add3A_79 : vector<512x512xf32>
    %reduce_sum3A = arith.constant dense<0.000000e+00> : vector<512xf32>
    %reduce_sum3A_81 = vector.multi_reduction <add>, %mul3A_80, %reduce_sum3A [1] : vector<512x512xf32> to vector<512xf32>
    %broadcast_in_dim3A_82 = vector.shape_cast %reduce_sum3A_81 : vector<512xf32> to vector<512x1xf32>
    %sqrt3A = math.sqrt %broadcast_in_dim3A_82 : vector<512x1xf32>
    %max3A = arith.constant 9.99999996E-13 : f32
    %max3A_83 = vector.broadcast %max3A : f32 to vector<512x1xf32>
    %max3A_84 = arith.maximumf %sqrt3A, %max3A_83 : vector<512x1xf32>
    %div3A_85 = vector.broadcast %max3A_84 : vector<512x1xf32> to vector<512x512xf32>
    %div3A_86 = arith.divf %add3A_79, %div3A_85 : vector<512x512xf32>
    %swap3A = arith.constant 0 : index
    %swap3A_87 = arith.constant 0 : index
    %swap3A_88 = vector.load %arg10[%swap3A, %swap3A_87] : memref<512x512xf32, #tpu.memory_space<vmem>>, vector<512x512xf32>
    tpu.vector_store %arg10[%swap3A, %swap3A_87], %div3A_86 {strides = array<i32>} : memref<512x512xf32, #tpu.memory_space<vmem>>, vector<512x512xf32>,
    return
  }
  func.func @transform_0(%arg0: i32) -> (i32, i32) {
    %c0_i32 = arith.constant 0 : i32
    %c0_i32_0 = arith.constant 0 : i32
    %c0_i32_1 = arith.constant 0 : i32
    return %c0_i32, %c0_i32_0 : i32, i32
  }
  func.func @transform_1(%arg0: i32) -> (i32, i32) {
    %c0_i32 = arith.constant 0 : i32
    %c0_i32_0 = arith.constant 0 : i32
    return %arg0, %c0_i32 : i32, i32
  }
  func.func @transform_2(%arg0: i32) -> (i32, i32) {
    %c0_i32 = arith.constant 0 : i32
    %c0_i32_0 = arith.constant 0 : i32
    return %arg0, %c0_i32 : i32, i32
  }
  func.func @transform_3(%arg0: i32) -> (i32, i32) {
    %c0_i32 = arith.constant 0 : i32
    %c0_i32_0 = arith.constant 0 : i32
    return %arg0, %c0_i32 : i32, i32
  }
  func.func @transform_4(%arg0: i32) -> (i32, i32) {
    %c0_i32 = arith.constant 0 : i32
    %c0_i32_0 = arith.constant 0 : i32
    return %arg0, %c0_i32 : i32, i32
  }
  func.func @transform_5(%arg0: i32) -> (i32, i32) {
    %c0_i32 = arith.constant 0 : i32
    %c0_i32_0 = arith.constant 0 : i32
    return %arg0, %c0_i32 : i32, i32
  }
  func.func @transform_6(%arg0: i32) -> (i32, i32) {
    %c0_i32 = arith.constant 0 : i32
    %c0_i32_0 = arith.constant 0 : i32
    %c0_i32_1 = arith.constant 0 : i32
    return %c0_i32, %c0_i32_0 : i32, i32
  }
  func.func @transform_7(%arg0: i32) -> (i32, i32) {
    %c0_i32 = arith.constant 0 : i32
    %c0_i32_0 = arith.constant 0 : i32
    return %arg0, %c0_i32 : i32, i32
  }
  func.func @transform_8(%arg0: i32) -> (i32, i32) {
    %c0_i32 = arith.constant 0 : i32
    %c0_i32_0 = arith.constant 0 : i32
    %c0_i32_1 = arith.constant 0 : i32
    return %c0_i32, %c0_i32_0 : i32, i32
  }
  func.func @transform_9(%arg0: i32) -> (i32, i32) {
    %c0_i32 = arith.constant 0 : i32
    %c0_i32_0 = arith.constant 0 : i32
    return %arg0, %c0_i32 : i32, i32
  }
}

</mosaic_0001>

<sc_bundles>
// kernel: gather_offload_async_start
scs
__scs_entry_jumppad:
0x0: {  	(pc) =	sbr.rel $0x88, $3  }
0x1: {  	(tag) =	ssettag $0x0;
	lr =	simm.s32 $0x1  }
0x2: {  	[smem:$0x3F9E] =	sst lr;
	_ =	strace $0xD0000000  }
0x3: {  	_ = 	snop  }
0x4: {  	_ = 	snop  }
0x5: {  	_ = 	snop  }
0x6: {  	_ = 	snop  }
0x7: {  	_ = 	snop  }
__scs_overlays_trampoline_lowered:
0x8: {  	[smem:$0x3FAD] =	sst s0  }
0x9: {  	[smem:$0x3FAE] =	sst s1  }
0xa: {  	[smem:$0x3FAF] =	sst s2  }
0xb: {  	[smem:$0x3FB0] =	sst s3  }
0xc: {  	[smem:$0x3FB1] =	sst s4  }
0xd: {  	[smem:$0x3FB2] =	sst s5  }
0xe: {  	[smem:$0x3FB3] =	sst s6  }
0xf: {  	[smem:$0x3FB4] =	sst s7  }
0x10: {  	[smem:$0x3FB5] =	sst s8  }
0x11: {  	[smem:$0x3FB6] =	sst s9;
	s0 =	simm.s32 @!p0 $0x0  }
0x12: {  	s1 =	sld [smem:$0x3F9C];
	s0 =	simm.s32 @p0 $0x1  }
0x13: {  	[smem:$0x3FB7] =	sst s0;
	s0 =	simm.s32 @!p1 $0x0  }
0x14: {  	s2 =	sld [smem:$0x3F9B];
	s0 =	simm.s32 @p1 $0x1  }
0x15: {  	[smem:$0x3FB8] =	sst s0;
	s0 =	simm.s32 @!p2 $0x0  }
0x16: {  	s3 =	sld [smem:$0x3FDB];
	s0 =	simm.s32 @p2 $0x1  }
0x17: {  	s4 =	simm.s32 $0x1BF5;
	[smem:$0x3FBA] =	sst s0  }
0x18: {  	s0 =	sld [smem:$0x3F9D];
	_ =	swait.ge [sflag:s4], $0x0  }
0x19: {  	s7 =	sld [smem:$0x3F9E]  }
0x1a: {  	s8 =	sadd.s32 $0xFFFFE003, lr  }
0x1b: {  	s9 =	sadd.s32 $0xFFFFFEF7, lr;
	s5 =	simm.s32 $0xFFFFFFFF;
	p2 =	slt.u32 s8, $0xFFFFF086  }
0x1c: {  	p1 =	slt.u32 s9, $0xF7A;
	s5 =	simm.s32 @!p2 $0x0  }
0x1d: {  	s5 =	simm.s32 @p1 $0x1;
	p0 =	seq.s32 s7, s2  }
0x1e: {  	s7 =	smul.u32 @!p0 $0xF7A, s2;
	p2 =	seq.s32 @!p0 s5, $0x0  }
0x1f: {  	s9 =	smul.u32 $0xF7A, s1;
	s8 =	simm.s32 @!p0 $0x1BF5;
	p2 =	por !p2, p0  }
0x20: {  	[sflag:s8] =	ssyncset.s32 @!p0 $0xFFFFF086;
	s6 =	sadd.s32 @!p0 s3, s7;
	s7 =	simm.s32 @!p0 $0x108  }
0x21: {  	s3 =	sadd.s32 s3, s9;
	s6 =	sadd.s32 @!p0 $0x88, s6;
	s7 =	simm.s32 @p2 $0x1082  }
0x22: {  	[simem:s7], [sflag:s8] =	dma.local @!p0 [hbm:s6], $0xF7A  }
0x23: {  	s9 =	sor.u32 $0xD0000000, s2;
	s6 =	simm.s32 $0x108;
	_ =	swait.ge @!p0 [sflag:s8], $0x0  }
0x24: {  	s3 =	sadd.s32 $0x88, s3;
	s6 =	simm.s32 @!p1 $0x1082;
	[sflag:s4] =	ssyncset.s32 $0xFFFFF086  }
0x25: {  	[simem:s6], [sflag:s4] =	dma.local [hbm:s3], $0xF7A  }
0x26: {  	[smem:$0x3F9E] =	sst s1;
	(tag) =	ssettag s2;
	_ =	strace s9  }
0x27: {  	s1 =	sld [smem:$0x3FAE]  }
0x28: {  	s2 =	sld [smem:$0x3FAF]  }
0x29: {  	s4 =	sld [smem:$0x3FB1]  }
0x2a: {  	p0 =	seq.s32 s5, $0x0;
	s5 =	sld [smem:$0x3FB2]  }
0x2b: {  	s6 =	sld [smem:$0x3FB3]  }
0x2c: {  	s7 =	sld [smem:$0x3FB4]  }
0x2d: {  	s3 =	simm.s32 $0x108;
	s8 =	sld [smem:$0x3FB5]  }
0x2e: {  	s3 =	simm.s32 @!p0 $0x1082;
	s9 =	sld [smem:$0x3FB6]  }
0x2f: {  	lr =	sadd.s32 s0, s3;
	s0 =	sld [smem:$0x3FAD]  }
0x30: {  	s3 =	sld [smem:$0x3FB0]  }
0x31: {  	[smem:$0x3FB9] =	sst s10  }
0x32: {  	s10 =	sld [smem:$0x3FB7];
	_ =	sdelay $0x3  }
0x33: {  	p0 =	seq.s32 s10, $0x1;
	s10 =	sld [smem:$0x3FB9];
	_ =	sdelay $0x3  }
0x34: {  	[smem:$0x3FB9] =	sst s10  }
0x35: {  	s10 =	sld [smem:$0x3FB8];
	_ =	sdelay $0x3  }
0x36: {  	p1 =	seq.s32 s10, $0x1;
	s10 =	sld [smem:$0x3FB9];
	_ =	sdelay $0x3  }
0x37: {  	[smem:$0x3FB9] =	sst s10  }
0x38: {  	s10 =	sld [smem:$0x3FBA]  }
0x39: {  	_ = 	snop;
	(pc) =	sbr.ind lr, $3  }
0x3a: {  	_ = 	snop  }
0x3b: {  	_ = 	snop  }
0x3c: {  	p2 =	seq.s32 s10, $0x1;
	s10 =	sld [smem:$0x3FB9]  }
0x3d: {  	_ =	shalt  }
0x3e: {  	_ =	shalt  }
0x3f: {  	_ =	shalt  }
0x40: {  	_ =	shalt  }
0x41: {  	_ =	shalt  }
0x42: {  	_ =	shalt  }
0x43: {  	_ =	shalt  }
0x44: {  	_ =	shalt  }
0x45: {  	_ =	shalt  }
0x46: {  	_ =	shalt  }
0x47: {  	_ =	shalt  }
0x48: {  	_ =	shalt  }
0x49: {  	_ =	shalt  }
0x4a: {  	_ =	shalt  }
0x4b: {  	_ =	shalt  }
0x4c: {  	_ =	shalt  }
0x4d: {  	_ =	shalt  }
0x4e: {  	_ =	shalt  }
0x4f: {  	_ =	shalt  }
0x50: {  	_ =	shalt  }
0x51: {  	_ =	shalt  }
0x52: {  	_ =	shalt  }
0x53: {  	_ =	shalt  }
0x54: {  	_ =	shalt  }
0x55: {  	_ =	shalt  }
0x56: {  	_ =	shalt  }
0x57: {  	_ =	shalt  }
0x58: {  	_ =	shalt  }
0x59: {  	_ =	shalt  }
0x5a: {  	_ =	shalt  }
0x5b: {  	_ =	shalt  }
0x5c: {  	_ =	shalt  }
0x5d: {  	_ =	shalt  }
0x5e: {  	_ =	shalt  }
0x5f: {  	_ =	shalt  }
0x60: {  	_ =	shalt  }
0x61: {  	_ =	shalt  }
0x62: {  	_ =	shalt  }
0x63: {  	_ =	shalt  }
0x64: {  	_ =	shalt  }
0x65: {  	_ =	shalt  }
0x66: {  	_ =	shalt  }
0x67: {  	_ =	shalt  }
0x68: {  	_ =	shalt  }
0x69: {  	_ =	shalt  }
0x6a: {  	_ =	shalt  }
0x6b: {  	_ =	shalt  }
0x6c: {  	_ =	shalt  }
0x6d: {  	_ =	shalt  }
0x6e: {  	_ =	shalt  }
0x6f: {  	_ =	shalt  }
0x70: {  	_ =	shalt  }
0x71: {  	_ =	shalt  }
0x72: {  	_ =	shalt  }
0x73: {  	_ =	shalt  }
0x74: {  	_ =	shalt  }
0x75: {  	_ =	shalt  }
0x76: {  	_ =	shalt  }
0x77: {  	_ =	shalt  }
0x78: {  	_ =	shalt  }
0x79: {  	_ =	shalt  }
0x7a: {  	_ =	shalt  }
0x7b: {  	_ =	shalt  }
0x7c: {  	_ =	shalt  }
0x7d: {  	_ =	shalt  }
0x7e: {  	_ =	shalt  }
0x7f: {  	_ =	shalt  }
0x80: {  	_ =	shalt  }
0x81: {  	_ =	shalt  }
0x82: {  	_ =	shalt  }
0x83: {  	_ =	shalt  }
0x84: {  	_ =	shalt  }
0x85: {  	_ =	shalt  }
0x86: {  	_ =	shalt  }
0x87: {  	_ =	shalt  }
.Lfunc_end0:
.L_simem_size_0:
called_computation.1_lowered:
.L_overlay_start_0:
0x88: {  	s2 =	sld [smem:$0x3FD9]  }
0x89: {  	s3 =	sld [smem:$0x3FFE];
	_ =	sdelay $0x1  }
0x8a: {  	s1 =	srdreg.scid  }
0x8b: {  	s0 =	sand.u32 $0x1, s1  }
0x8c: {  	s16 =	sshll.u32 s0, $0xA;
	s2 =	sadd.s32 s3, s2  }
0x8d: {  	s2 =	sadd.s32 s2, s16  }
0x8e: {  	[smem:$0x3FC5] =	sst s2  }
0x8f: {  	_ = 	snop  }
0x90: {  	(tm) =	ssettm $0x1  }
0x91: {  	s17 =	sld [smem:$0x3FFB];
	_ =	sdelay $0x3  }
0x92: {  	_ =	strace s17  }
0x93: {  	s2 =	sld [smem:$0x3FFC];
	_ =	sdelay $0x3  }
0x94: {  	_ =	strace s2  }
0x95: {  	s2 =	sld [smem:$0x3FFD];
	_ =	sdelay $0x3  }
0x96: {  	_ =	strace s2  }
0x97: {  	_ =	strace $0x8FFFFFFF  }
0x98: {  	s18 =	sld [smem:$0x3FDB];
	_ =	sdelay $0x1  }
0x99: {  	s19 =	simm.s32 $_scs_section_size  }
0x9a: {  	s4 =	simm.s32 $_size__tile_overlayer_lowered;
	s5 =	simm.s32 $_tile_overlayer_lowered  }
0x9b: {  	s22 =	simm.s32 $0x1BFF;
	s21 =	sshll.u32 s5, $0x1;
	s2 =	sadd.s32 s19, s18  }
0x9c: {  	s6 =	simm.s32 $0x0;
	s20 =	sshll.u32 s4, $0x1;
	s4 =	sadd.s32 s21, s2  }
0x9d: {  	[timem:s6], [sflag:s22] =	dma.local [hbm:s4], s20  }
0x9e: {  	_ =	swait.ge [sflag:s22], s20  }
0x9f: {  	s3 =	ssub.s32 $0x0, s20;
	[sflag:s22] =	ssyncset.done $0x0  }
0xa0: {  	[sflag:s22] =	ssyncadd.s32 s3;
	_ =	sdelay $0x1  }
0xa1: {  	s23 =	simm.s32 $0x1B8B  }
0xa2: {  	_ =	swait.ge [sflag:s23], $0x1  }
0xa3: {  	[sflag:s23] =	ssyncset.done $0x0  }
0xa4: {  	s25 =	simm.s32 $0x1B8E;
	s24 =	sld [smem:$0x3FFE];
	[sflag:s23] =	ssyncadd.s32 $0xFFFFFFFF  }
0xa5: {  	s26 =	simm.s32 $execute0_lowered;
	[smem:$0x3FD2] =	sst s25  }
0xa6: {  	s4 =	sshll.u32 s26, $0x1;
	_ =	strace $0x8000004C;
	[dreg:$0x1] =	wrdreg $0xFFFFFFFF  }
0xa7: {  	s28 =	simm.s32 $_size_execute0_lowered;
	s2 =	sadd.s32 s2, s4;
	[dreg:$0x0] =	wrdreg $0x0  }
0xa8: {  	s4 =	sshll.u32 s28, $0x1;
	[dreg:$0x2] =	wrdreg s2  }
0xa9: {  	[dreg:$0x3] =	wrdreg s4  }
0xaa: {  	[dreg:$0x4] =	wrdreg $0xC0  }
0xab: {  	_ =	task [dreg:s6], $0x5FFFF  }
0xac: {  	[dreg:$0x1] =	wrdreg $0xFFFFFFFF  }
0xad: {  	[dreg:$0x0] =	wrdreg $0x60  }
0xae: {  	[dreg:$0x2] =	wrdreg s24  }
0xaf: {  	[dreg:$0x3] =	wrdreg $0x9  }
0xb0: {  	_ =	task.clear_ibuf [dreg:s6], $0x4FFFF;
	_ =	strace $0x9000004C  }
0xb1: {  	s29 =	simm.s32 $0x9;
	_ =	strace $0x8000004E  }
0xb2: {  	_ =	swait.ge [sflag:s29], $0x1  }
0xb3: {  	[sflag:s29] =	ssyncadd.s32 $0xFFFFFFFF  }
0xb4: {  	_ =	strace $0x9000004E  }
0xb5: {  	_ =	sfence  }
0xb6: {  	s30 =	sld [smem:$0x0];
	_ =	sdelay $0x2  }
0xb7: {  	s31 =	sshll.u32 s1, $0xD;
	s1 =	sshrl.u32 s1, $0x2  }
0xb8: {  	s3 =	sand.u32 $0x4000, s31;
	s1 =	sadd.s32 s1, s30  }
0xb9: {  	s0 =	sor.u32 s3, s0;
	s1 =	sshll.u32 s1, $0x11  }
0xba: {  	s0 =	sor.u32 s1, s0  }
0xbb: {  	s0 =	sadd.s32 $0x8F2B, s0  }
0xbc: {  	[sflag:s0] =	ssyncadd.remote.s32 $0x1  }
0xbd: {  	_ =	sfence.sel $0xFFFF  }
0xbe: {  	[dreg:$0x0] =	wrdreg $0xFFFFFFFF;
	(pc) =	sbr.abs _section_cstart, $3  }
0xbf: {  	[dreg:$0x1] =	wrdreg $0xFFFFFFFF  }
0xc0: {  	_ =	task.clear_ibuf [dreg:s6], $0x2FFFF;
	_ =	strace $0x9FFFFFFF  }
0xc1: {  	(tm) =	ssettm $0x7FFFFFFF  }
tec
execute0_lowered:
.L_overlay_start_1:
0x0: {  	(tag) =	ssettag $0x1  }
0x1: {  	s8 =	rddreg [dreg:$0x0];
	s1 =	stileid.u32  }
0x2: {  	s2 =	srdreg.scid;
	s0 =	rddreg [dreg:$0x1]  }
0x3: {  	_ =	strace $0x8000004D;
	s5 =	simm.s32 $0x1;
	s9 =	simm.s32 $0x1  }
0x4: {  	s10 =	simm.s32 $0x3;
	s3 =	sand.u32 $0x1, s2;
	s4 =	sshll.u32 s1, $0x1  }
0x5: {  	s13 =	simm.s32 $0x0;
	s12 =	simm.s32 $0x0;
	s6 =	sor.u32 s4, s3  }
0x6: {  	s2 =	sadd.s32 $0x1E0400, s8;
	[sflag:s5] =	ssyncpa.u1 $0x0;
	s4 =	smul.u32 $0x3000, s6  }
0x7: {  	s3 =	sadd.s32 $0x22B400, s8;
	p0 =	slt.u32 s6, $0x9;
	s6 =	simm.s32 $0x60000  }
.Ltmp0:
0x8: {  	s6 =	simm.s32 @!p0 $0x0;
	s7 =	ssub.s32 $0x78000, s4;
	(pc) =	sbr.rel .LBB2_1-.Ltmp0, $4  }
0x9: {  	s9 =	simm.s32 @!p0 $0x0;
	p0 =	sne.s32 s7, s6;
	s7 =	simm.s32 $0x1  }
0xa: {  	s8 =	sadd.s32 $0x23A600, s8;
	s6 =	simm.s32 $0x2;
	s7 =	simm.s32 @!p0 $0x0  }
0xb: {  	s11 =	smov.u32 s4;
	[sflag:s6] =	ssyncpa.u1 $0x0;
	s7 =	sadd.s32 s9, s7  }
0xc: {  	vm0 =	vmmov $0xffff;
	[sflag:s10] =	ssyncpa.u1 $0x0;
	s10 =	simm.s32 $0x0;
	s9 =	sadd.s32 $0x1, s7  }
.LBB2_4:
0xd: {  	vm2 =	veq.s32 v2, $0x80000000;
	v4 =	vand.u32 $0x1F, v4;
	v5 =	vor.u32 v6, v5  }
0xe: {  	v1 =	vand.u32 $0x3FFF, v1;
	v7 =	vshrl.u32 v2, $0xE;
	v56 =	vand.u32 $0x3FFF, v2  }
0xf: {  	v4 =	vsel vm1, $0xFFFFFFFF, v4;
	v3 =	vor.u32 v3, v5;
	v1 =	vsel vm1, $0xFFFFFFFF, v1  }
0x10: {  	vm1 =	vmmov vm2;
	v7 =	vand.u32 $0x1F, v7;
	v54 =	vshrl.u32 v4, $0x3  }
0x11: {  	v4 =	vshll.u32 v4, $0x7;
	v55 =	vshll.u32 v1, $0x3;
	v57 =	vsel vm1, $0xFFFFFFFF, v7  }
0x12: {  	v2 =	vsel vm1, $0xFFFFFFFF, v56;
	v1 =	vand.u32 $0x7F, v1;
	v5 =	vmul.u32 $0x1E000, v54  }
0x13: {  	v6 =	vand.u32 $0xFFFFFC00, v55;
	v4 =	vand.u32 $0x380, v4;
	v7 =	vshrl.u32 v57, $0x3  }
0x14: {  	v59 =	vshll.u32 v2, $0x3;
	v58 =	vmul.u32 $0x1E000, v7;
	v5 =	vadd.s32 v6, v5  }
0x15: {  	v7 =	vand.u32 $0xFFFFFC00, v59;
	v6 =	vshll.u32 v57, $0x7;
	v4 =	vor.u32 v4, v5  }
0x16: {  	v60 =	vadd.s32 v7, v58;
	v61 =	vand.u32 $0x380, v6;
	v1 =	vor.u32 v1, v4  }
0x17: {  	[tilespmem:s16], [sflag:$0x1] =	stream.indirect_vreg.gather [hbm4b:s2+s10], $0x1, v0, vm0, $0x4038;
	v62 =	vand.u32 $0x7F, v2;
	v63 =	vor.u32 v61, v60;
	[tilespmem:$0xC000] =	vst v63  }
0x18: {  	(ifvalue) =	ssetifvalue $0x7FFFFFFF;
	v0 =	vor.u32 v62, v63  }
0x19: {  	[tilespmem:s15], [sflag:$0x1] =	stream.indirect_vreg.gather [hbm4b:s2+s10], $0x1, v3, vm0, $0x4038;
	[tilespmem:$0xC000] =	vst v63  }
0x1a: {  	s29 =	sadd.s32 $0x10, s15;
	(ifvalue) =	ssetifvalue $0x7FFFFFFF  }
0x1b: {  	[tilespmem:s29], [sflag:$0x1] =	stream.indirect_vreg.gather [hbm4b:s2+s10], $0x1, v1, vm0, $0x4038;
	[tilespmem:$0xC000] =	vst v63  }
0x1c: {  	s15 =	sadd.s32 $0x10, s29;
	(ifvalue) =	ssetifvalue $0x7FFFFFFF  }
0x1d: {  	[tilespmem:s15], [sflag:$0x1] =	stream.indirect_vreg.gather [hbm4b:s2+s10], $0x1, v0, vm0, $0x4038;
	[tilespmem:$0xC000] =	vst v63  }
0x1e: {  	_ =	swait.ge [sflag:s5], $0x3000  }
0x1f: {  	s30 =	sshrl.u32 s13, $0x3;
	[sflag:s5] =	ssyncset.done $0x0  }
0x20: {  	s31 =	sand.u32 $0x7, s13;
	s15 =	sadd.s32 s8, s30;
	[sflag:s5] =	ssyncadd.s32 $0xFFFFD000  }
0x21: {  	[hbm4b:s15+s31] =	stream.linear.scatter [tilespmem:s14], [sflag:$0x3], $0x3000, $0x38;
	[tilespmem:$0xC000] =	vst v63  }
.LBB2_5:
0x22: {  	s15 =	sadd.s32 $0x60000, s11  }
0x23: {  	p1 =	sgt.s32 s15, $0x77FFF  }
0x24: {  	s15 =	smov.u32 @p1 s4;
	p1 =	sne.s32 s12, s9  }
.Ltmp1:
0x25: {  	p0 =	slt.u32 s12, $0x2;
	(pc) =	sbr.rel @!p1 .LBB2_6-.Ltmp1, $4  }
0x26: {  	s14 =	simm.s32 @!p0 $0x3  }
0x27: {  	_ =	swait.ge @!p0 [sflag:s14], $0x3000  }
0x28: {  	s16 =	sadd.s32 $0x1, s12;
	s13 =	smov.u32 s11;
	[sflag:s14] =	ssyncset.done @!p0 $0x0  }
0x29: {  	s12 =	smov.u32 s16;
	s11 =	smov.u32 s15;
	[sflag:s14] =	ssyncadd.s32 @!p0 $0xFFFFD000  }
.LBB2_1:
0x2a: {  	p0 =	sge.u32 s12, s7  }
0x2b: {  	s14 =	sxor.u32 @!p0 $0x1, s12  }
0x2c: {  	s14 =	smul.u32 @!p0 $0xC000, s14  }
0x2d: {  	s31 =	sadd.s32 $0xFFFFFFFF, s12;
	s15 =	sshrl.u32 @!p0 s11, $0x3  }
0x2e: {  	s16 =	sand.u32 @!p0 $0x7, s11;
	s15 =	sadd.s32 @!p0 s3, s15;
	s14 =	sshra.s32 @!p0 s14, $0x2  }
0x2f: {  	[tilespmem:s14], [sflag:$0x2] =	stream.linear.gather @!p0 [hbm4b:s15+s16], $0x3000, $0x38;
	[tilespmem:$0xC000] =	vst v63  }
0x30: {  	p0 =	sge.u32 s31, s7  }
.Ltmp2:
0x31: {  	_ = 	snop;
	(pc) =	sbr.rel @p0 .LBB2_5-.Ltmp2, $1  }
0x32: {  	_ =	sdelay $0x3  }
0x33: {  	s14 =	sand.u32 $0x1, s12  }
0x34: {  	_ =	swait.ge [sflag:s6], $0x3000;
	p0 =	seq.s32 s14, $0x1;
	s14 =	simm.s32 $0x3000  }
0x35: {  	[sflag:s6] =	ssyncset.done $0x0;
	s14 =	simm.s32 @!p0 $0x0  }
0x36: {  	[sflag:s6] =	ssyncadd.s32 $0xFFFFD000;
	(ifvalue) =	ssetifvalue $0x7FFFFFFF;
	v0 =	vld.msk [tilespmem:s14+$0x0 ss:$0x1], $0xffff;
	_ =	sdelay $0x2  }
0x37: {  	s15 =	sadd.s32 $0x10, s14  }
0x38: {  	v2 =	vld.msk [tilespmem:s15+$0x0 ss:$0x1], $0xffff  }
0x39: {  	vm1 =	veq.s32 v0, $0x80000000;
	v1 =	vshrl.u32 v0, $0xE  }
0x3a: {  	vm1 =	vmmov vm1;
	v3 =	vand.u32 $0x1F, v1  }
0x3b: {  	v0 =	vand.u32 $0x3FFF, v0;
	v3 =	vsel vm1, $0xFFFFFFFF, v3  }
0x3c: {  	s15 =	sadd.s32 $0x10, s15;
	v0 =	vsel vm1, $0xFFFFFFFF, v0;
	v4 =	vshrl.u32 v3, $0x3  }
0x3d: {  	v1 =	vld.msk [tilespmem:s15+$0x0 ss:$0x1], $0xffff;
	v6 =	vshrl.u32 v2, $0xE;
	v5 =	vshll.u32 v0, $0x3;
	v4 =	vmul.u32 $0x1E000, v4  }
0x3e: {  	vm1 =	veq.s32 v2, $0x80000000;
	v3 =	vshll.u32 v3, $0x7;
	v5 =	vand.u32 $0xFFFFFC00, v5  }
0x3f: {  	v0 =	vand.u32 $0x7F, v0;
	v3 =	vand.u32 $0x380, v3;
	v4 =	vadd.s32 v5, v4  }
0x40: {  	vm1 =	vmmov vm1;
	v5 =	vand.u32 $0x1F, v6;
	v3 =	vor.u32 v3, v4  }
0x41: {  	v2 =	vand.u32 $0x3FFF, v2;
	v4 =	vsel vm1, $0xFFFFFFFF, v5;
	v0 =	vor.u32 v0, v3  }
0x42: {  	s15 =	sadd.s32 $0x10, s15;
	vm2 =	veq.s32 v1, $0x80000000;
	v3 =	vsel vm1, $0xFFFFFFFF, v2;
	v2 =	vshrl.u32 v4, $0x3  }
0x43: {  	s14 =	sadd.s32 $0x6000, s14;
	v6 =	vshll.u32 v4, $0x7;
	v5 =	vmul.u32 $0x1E000, v2;
	v4 =	vshll.u32 v3, $0x3;
	v2 =	vld.msk [tilespmem:s15+$0x0 ss:$0x1], $0xffff  }
0x44: {  	s17 =	simm.s32 $0x30;
	s16 =	smov.u32 s14;
	vm1 =	vmmov vm2;
	v3 =	vand.u32 $0x7F, v3;
	v7 =	vand.u32 $0xFFFFFC00, v4  }
0x45: {  	s18 =	sadd.s32 $0x10, s15;
	v6 =	vand.u32 $0x380, v6;
	(ifvalue) =	ssetifvalue $0x7FFFFFFF;
	s15 =	sadd.s32 $0x10, s14;
	v4 =	vshrl.u32 v1, $0xE;
	v5 =	vadd.s32 v7, v5  }
.LBB2_3:
0x46: {  	[tilespmem:s16], [sflag:$0x1] =	stream.indirect_vreg.gather [hbm4b:s2+s10], $0x1, v0, vm0, $0x4038;
	[tilespmem:$0xC000] =	vst v63  }
0x47: {  	s17 =	sadd.s32 $0x10, s17  }
0x48: {  	vm2 =	veq.s32 v2, $0x80000000;
	v4 =	vand.u32 $0x1F, v4;
	v5 =	vor.u32 v6, v5;
	v6 =	vmovc v2;
	v2 =	vld.msk [tilespmem:s18+$0x0 ss:$0x1], $0xffff;
	p0 =	slt.u32 s17, $0x2FF0  }
.Ltmp3:
0x49: {  	v7 =	vand.u32 $0x3FFF, v1;
	s16 =	smov.u32 s15;
	v4 =	vsel vm1, $0xFFFFFFFF, v4;
	v0 =	vor.u32 v3, v5;
	v1 =	vmovc v6;
	(pc) =	sbr.rel @p0 .LBB2_3-.Ltmp3, $4  }
0x4a: {  	v5 =	vsel vm1, $0xFFFFFFFF, v7;
	v6 =	vshrl.u32 v4, $0x3;
	v7 =	vshll.u32 v4, $0x7  }
0x4b: {  	v3 =	vand.u32 $0x7F, v5;
	v4 =	vshll.u32 v5, $0x3;
	v6 =	vmul.u32 $0x1E000, v6  }
0x4c: {  	vm1 =	vmmov vm2;
	v5 =	vand.u32 $0xFFFFFC00, v4  }
0x4d: {  	s18 =	sadd.s32 $0x10, s18;
	s15 =	sadd.s32 $0x10, s15;
	v4 =	vshrl.u32 v1, $0xE;
	v5 =	vadd.s32 v5, v6;
	v6 =	vand.u32 $0x380, v7;
	(ifvalue) =	ssetifvalue $0x7FFFFFFF  }
.Ltmp4:
0x4e: {  	_ = 	snop;
	(pc) =	sbr.rel .LBB2_4-.Ltmp4, $1  }
0x4f: {  	_ =	sdelay $0x3  }
.LBB2_6:
0x50: {  	_ =	sfence.sel $0x180000  }
0x51: {  	s2 =	simm.s32 $0x2;
	[bflag:$0x0] =	sbarrier.arrive $0xFFFF  }
0x52: {  	s30 =	simm.s32 $0x3;
	[sflag:s2] =	ssyncpa.u1 $0x1  }
0x53: {  	s31 =	simm.s32 $0x1;
	[sflag:s30] =	ssyncpa.u1 $0x1  }
0x54: {  	[sflag:s31] =	ssyncpa.u1 $0x1  }
0x55: {  	p0 =	sne.s32 s1, $0x0;
	_ =	strace $0x9000004D  }
0x56: {  	s0 =	sadd.s32 @!p0 $0x100000, s0;
	[bflag:$0x2] =	sbarrier.arrive $0xFFFF  }
0x57: {  	[sflag:s0] =	ssyncadd.tile.s32 @!p0 $0x1;
	_ =	shalt  }
.Lfunc_end2:
_tile_overlayer_lowered:
.L_overlay_start_2:
0x58: {  	(tag) =	ssettag $0x2  }
0x59: {  	s0 =	rddreg [dreg:$0x0];
	s2 =	stileid.u32  }
0x5a: {  	s1 =	rddreg [dreg:$0x1];
	p0 =	sne.s32 s2, $0x0  }
0x5b: {  	s3 =	rddreg [dreg:$0x2];
	[bflag:$0x3] =	sbarrier.arrive $0xFFFF;
	s2 =	simm.s32 @!p0 $0x1C01  }
0x5c: {  	[timem:s3], [sflag:s2] =	dma.local @!p0 [hbm:s0], s1  }
0x5d: {  	s0 =	simm.s32 @!p0 $0x1  }
0x5e: {  	_ =	swait.ge @!p0 [sflag:s0], s1  }
0x5f: {  	s1 =	ssub.s32 @!p0 $0x0, s1;
	[sflag:s0] =	ssyncset.done @!p0 $0x0  }
0x60: {  	[sflag:s0] =	ssyncadd.s32 @!p0 s1  }
0x61: {  	[bflag:$0x3] =	sbarrier.arrive $0xFFFF  }
0x62: {  	_ =	shalt  }

// kernel: kernel.6.cloned.1.call-start
scs
__scs_entry_jumppad:
0x0: {  	(pc) =	sbr.rel $0x88, $3  }
0x1: {  	(tag) =	ssettag $0x0;
	lr =	simm.s32 $0x1  }
0x2: {  	[smem:$0x3F9E] =	sst lr;
	_ =	strace $0xD0000000  }
0x3: {  	_ = 	snop  }
0x4: {  	_ = 	snop  }
0x5: {  	_ = 	snop  }
0x6: {  	_ = 	snop  }
0x7: {  	_ = 	snop  }
__scs_overlays_trampoline_lowered:
0x8: {  	[smem:$0x3FAD] =	sst s0  }
0x9: {  	[smem:$0x3FAE] =	sst s1  }
0xa: {  	[smem:$0x3FAF] =	sst s2  }
0xb: {  	[smem:$0x3FB0] =	sst s3  }
0xc: {  	[smem:$0x3FB1] =	sst s4  }
0xd: {  	[smem:$0x3FB2] =	sst s5  }
0xe: {  	[smem:$0x3FB3] =	sst s6  }
0xf: {  	[smem:$0x3FB4] =	sst s7  }
0x10: {  	[smem:$0x3FB5] =	sst s8  }
0x11: {  	[smem:$0x3FB6] =	sst s9;
	s0 =	simm.s32 @!p0 $0x0  }
0x12: {  	s1 =	sld [smem:$0x3F9C];
	s0 =	simm.s32 @p0 $0x1  }
0x13: {  	[smem:$0x3FB7] =	sst s0;
	s0 =	simm.s32 @!p1 $0x0  }
0x14: {  	s2 =	sld [smem:$0x3F9B];
	s0 =	simm.s32 @p1 $0x1  }
0x15: {  	[smem:$0x3FB8] =	sst s0;
	s0 =	simm.s32 @!p2 $0x0  }
0x16: {  	s3 =	sld [smem:$0x3FDB];
	s0 =	simm.s32 @p2 $0x1  }
0x17: {  	s4 =	simm.s32 $0x1BF5;
	[smem:$0x3FBA] =	sst s0  }
0x18: {  	s0 =	sld [smem:$0x3F9D];
	_ =	swait.ge [sflag:s4], $0x0  }
0x19: {  	s7 =	sld [smem:$0x3F9E]  }
0x1a: {  	s8 =	sadd.s32 $0xFFFFE003, lr  }
0x1b: {  	s9 =	sadd.s32 $0xFFFFFEF7, lr;
	s5 =	simm.s32 $0xFFFFFFFF;
	p2 =	slt.u32 s8, $0xFFFFF086  }
0x1c: {  	p1 =	slt.u32 s9, $0xF7A;
	s5 =	simm.s32 @!p2 $0x0  }
0x1d: {  	s5 =	simm.s32 @p1 $0x1;
	p0 =	seq.s32 s7, s2  }
0x1e: {  	s7 =	smul.u32 @!p0 $0xF7A, s2;
	p2 =	seq.s32 @!p0 s5, $0x0  }
0x1f: {  	s9 =	smul.u32 $0xF7A, s1;
	s8 =	simm.s32 @!p0 $0x1BF5;
	p2 =	por !p2, p0  }
0x20: {  	[sflag:s8] =	ssyncset.s32 @!p0 $0xFFFFF086;
	s6 =	sadd.s32 @!p0 s3, s7;
	s7 =	simm.s32 @!p0 $0x108  }
0x21: {  	s3 =	sadd.s32 s3, s9;
	s6 =	sadd.s32 @!p0 $0x88, s6;
	s7 =	simm.s32 @p2 $0x1082  }
0x22: {  	[simem:s7], [sflag:s8] =	dma.local @!p0 [hbm:s6], $0xF7A  }
0x23: {  	s9 =	sor.u32 $0xD0000000, s2;
	s6 =	simm.s32 $0x108;
	_ =	swait.ge @!p0 [sflag:s8], $0x0  }
0x24: {  	s3 =	sadd.s32 $0x88, s3;
	s6 =	simm.s32 @!p1 $0x1082;
	[sflag:s4] =	ssyncset.s32 $0xFFFFF086  }
0x25: {  	[simem:s6], [sflag:s4] =	dma.local [hbm:s3], $0xF7A  }
0x26: {  	[smem:$0x3F9E] =	sst s1;
	(tag) =	ssettag s2;
	_ =	strace s9  }
0x27: {  	s1 =	sld [smem:$0x3FAE]  }
0x28: {  	s2 =	sld [smem:$0x3FAF]  }
0x29: {  	s4 =	sld [smem:$0x3FB1]  }
0x2a: {  	p0 =	seq.s32 s5, $0x0;
	s5 =	sld [smem:$0x3FB2]  }
0x2b: {  	s6 =	sld [smem:$0x3FB3]  }
0x2c: {  	s7 =	sld [smem:$0x3FB4]  }
0x2d: {  	s3 =	simm.s32 $0x108;
	s8 =	sld [smem:$0x3FB5]  }
0x2e: {  	s3 =	simm.s32 @!p0 $0x1082;
	s9 =	sld [smem:$0x3FB6]  }
0x2f: {  	lr =	sadd.s32 s0, s3;
	s0 =	sld [smem:$0x3FAD]  }
0x30: {  	s3 =	sld [smem:$0x3FB0]  }
0x31: {  	[smem:$0x3FB9] =	sst s10  }
0x32: {  	s10 =	sld [smem:$0x3FB7];
	_ =	sdelay $0x3  }
0x33: {  	p0 =	seq.s32 s10, $0x1;
	s10 =	sld [smem:$0x3FB9];
	_ =	sdelay $0x3  }
0x34: {  	[smem:$0x3FB9] =	sst s10  }
0x35: {  	s10 =	sld [smem:$0x3FB8];
	_ =	sdelay $0x3  }
0x36: {  	p1 =	seq.s32 s10, $0x1;
	s10 =	sld [smem:$0x3FB9];
	_ =	sdelay $0x3  }
0x37: {  	[smem:$0x3FB9] =	sst s10  }
0x38: {  	s10 =	sld [smem:$0x3FBA]  }
0x39: {  	_ = 	snop;
	(pc) =	sbr.ind lr, $3  }
0x3a: {  	_ = 	snop  }
0x3b: {  	_ = 	snop  }
0x3c: {  	p2 =	seq.s32 s10, $0x1;
	s10 =	sld [smem:$0x3FB9]  }
0x3d: {  	_ =	shalt  }
0x3e: {  	_ =	shalt  }
0x3f: {  	_ =	shalt  }
0x40: {  	_ =	shalt  }
0x41: {  	_ =	shalt  }
0x42: {  	_ =	shalt  }
0x43: {  	_ =	shalt  }
0x44: {  	_ =	shalt  }
0x45: {  	_ =	shalt  }
0x46: {  	_ =	shalt  }
0x47: {  	_ =	shalt  }
0x48: {  	_ =	shalt  }
0x49: {  	_ =	shalt  }
0x4a: {  	_ =	shalt  }
0x4b: {  	_ =	shalt  }
0x4c: {  	_ =	shalt  }
0x4d: {  	_ =	shalt  }
0x4e: {  	_ =	shalt  }
0x4f: {  	_ =	shalt  }
0x50: {  	_ =	shalt  }
0x51: {  	_ =	shalt  }
0x52: {  	_ =	shalt  }
0x53: {  	_ =	shalt  }
0x54: {  	_ =	shalt  }
0x55: {  	_ =	shalt  }
0x56: {  	_ =	shalt  }
0x57: {  	_ =	shalt  }
0x58: {  	_ =	shalt  }
0x59: {  	_ =	shalt  }
0x5a: {  	_ =	shalt  }
0x5b: {  	_ =	shalt  }
0x5c: {  	_ =	shalt  }
0x5d: {  	_ =	shalt  }
0x5e: {  	_ =	shalt  }
0x5f: {  	_ =	shalt  }
0x60: {  	_ =	shalt  }
0x61: {  	_ =	shalt  }
0x62: {  	_ =	shalt  }
0x63: {  	_ =	shalt  }
0x64: {  	_ =	shalt  }
0x65: {  	_ =	shalt  }
0x66: {  	_ =	shalt  }
0x67: {  	_ =	shalt  }
0x68: {  	_ =	shalt  }
0x69: {  	_ =	shalt  }
0x6a: {  	_ =	shalt  }
0x6b: {  	_ =	shalt  }
0x6c: {  	_ =	shalt  }
0x6d: {  	_ =	shalt  }
0x6e: {  	_ =	shalt  }
0x6f: {  	_ =	shalt  }
0x70: {  	_ =	shalt  }
0x71: {  	_ =	shalt  }
0x72: {  	_ =	shalt  }
0x73: {  	_ =	shalt  }
0x74: {  	_ =	shalt  }
0x75: {  	_ =	shalt  }
0x76: {  	_ =	shalt  }
0x77: {  	_ =	shalt  }
0x78: {  	_ =	shalt  }
0x79: {  	_ =	shalt  }
0x7a: {  	_ =	shalt  }
0x7b: {  	_ =	shalt  }
0x7c: {  	_ =	shalt  }
0x7d: {  	_ =	shalt  }
0x7e: {  	_ =	shalt  }
0x7f: {  	_ =	shalt  }
0x80: {  	_ =	shalt  }
0x81: {  	_ =	shalt  }
0x82: {  	_ =	shalt  }
0x83: {  	_ =	shalt  }
0x84: {  	_ =	shalt  }
0x85: {  	_ =	shalt  }
0x86: {  	_ =	shalt  }
0x87: {  	_ =	shalt  }
.Lfunc_end0:
.L_simem_size_0:
called_computation.2_lowered:
.L_overlay_start_0:
0x88: {  	s2 =	sld [smem:$0x3FD9]  }
0x89: {  	s3 =	sld [smem:$0x3FFE];
	_ =	sdelay $0x1  }
0x8a: {  	s1 =	srdreg.scid  }
0x8b: {  	s0 =	sand.u32 $0x1, s1  }
0x8c: {  	s17 =	sshll.u32 s0, $0xA;
	s2 =	sadd.s32 s3, s2  }
0x8d: {  	s2 =	sadd.s32 s2, s17  }
0x8e: {  	[smem:$0x3FC5] =	sst s2  }
0x8f: {  	_ = 	snop  }
0x90: {  	(tm) =	ssettm $0x1  }
0x91: {  	s18 =	sld [smem:$0x3FFB];
	_ =	sdelay $0x3  }
0x92: {  	_ =	strace s18  }
0x93: {  	s2 =	sld [smem:$0x3FFC];
	_ =	sdelay $0x3  }
0x94: {  	_ =	strace s2  }
0x95: {  	s2 =	sld [smem:$0x3FFD];
	_ =	sdelay $0x3  }
0x96: {  	_ =	strace s2  }
0x97: {  	_ =	strace $0x8FFFFFFF  }
0x98: {  	s19 =	sld [smem:$0x3FDB];
	_ =	sdelay $0x1  }
0x99: {  	s20 =	simm.s32 $_scs_section_size  }
0x9a: {  	s4 =	simm.s32 $_size__tile_overlayer_lowered;
	s5 =	simm.s32 $_tile_overlayer_lowered  }
0x9b: {  	s6 =	simm.s32 $0x1BFF;
	s21 =	sshll.u32 s5, $0x1;
	s3 =	sadd.s32 s20, s19  }
0x9c: {  	s22 =	simm.s32 $0x0;
	s4 =	sshll.u32 s4, $0x1;
	s5 =	sadd.s32 s21, s3  }
0x9d: {  	[timem:s22], [sflag:s6] =	dma.local [hbm:s5], s4  }
0x9e: {  	_ =	swait.ge [sflag:s6], s4  }
0x9f: {  	s4 =	ssub.s32 $0x0, s4;
	[sflag:s6] =	ssyncset.done $0x0  }
0xa0: {  	[sflag:s6] =	ssyncadd.s32 s4;
	_ =	sdelay $0x1  }
0xa1: {  	s23 =	simm.s32 $0x1B8B  }
0xa2: {  	_ =	swait.ge [sflag:s23], $0x1  }
0xa3: {  	[sflag:s23] =	ssyncset.done $0x0  }
0xa4: {  	[sflag:s23] =	ssyncadd.s32 $0xFFFFFFFF  }
0xa5: {  	s4 =	sld [smem:$0x0]  }
0xa6: {  	s5 =	sand.u32 $0xFFFFFFFE, s1  }
0xa7: {  	p0 =	sne.s32 s1, s5  }
0xa8: {  	s5 =	sshll.u32 @p0 s5, $0xE  }
0xa9: {  	s5 =	sadd.s32 @p0 $0x11B8D, s5;
	s6 =	sshll.u32 @p0 s4, $0x11  }
0xaa: {  	s5 =	sor.u32 @p0 s6, s5  }
0xab: {  	[sflag:s5] =	ssyncadd.remote.s32 @p0 $0x1;
	_ =	sdelay $0x1  }
0xac: {  	s5 =	simm.s32 @p0 $0x1B8D  }
0xad: {  	_ =	swait.eq @p0 [sflag:s5], $0x1  }
0xae: {  	[sflag:s5] =	ssyncadd.s32 @p0 $0xFFFFFFFF  }
0xaf: {  	s6 =	sshll.u32 @!p0 s1, $0xE  }
0xb0: {  	s6 =	sor.u32 @!p0 $0x4000, s6;
	s5 =	simm.s32 @!p0 $0x1B8D  }
0xb1: {  	s4 =	sshll.u32 @!p0 s4, $0x11;
	s6 =	sadd.s32 @!p0 $0x11B8D, s6;
	_ =	swait.eq @!p0 [sflag:s5], $0x1  }
0xb2: {  	s4 =	sor.u32 @!p0 s4, s6;
	[sflag:s5] =	ssyncadd.s32 @!p0 $0xFFFFFFFF  }
0xb3: {  	s25 =	simm.s32 $0x1B8E;
	s24 =	sld [smem:$0x3FFE];
	[sflag:s4] =	ssyncadd.remote.s32 @!p0 $0x1  }
0xb4: {  	s26 =	simm.s32 $execute0_lowered;
	[smem:$0x3FD2] =	sst s25  }
0xb5: {  	s5 =	sshll.u32 s26, $0x1;
	_ =	strace $0x80000049;
	[dreg:$0x1] =	wrdreg $0xFFFFFFFF  }
0xb6: {  	s28 =	simm.s32 $_size_execute0_lowered;
	s3 =	sadd.s32 s3, s5;
	[dreg:$0x0] =	wrdreg $0x0  }
0xb7: {  	s5 =	sshll.u32 s28, $0x1;
	[dreg:$0x2] =	wrdreg s3  }
0xb8: {  	[dreg:$0x3] =	wrdreg s5  }
0xb9: {  	[dreg:$0x4] =	wrdreg $0xC0  }
0xba: {  	_ =	task [dreg:s22], $0x5FFFF  }
0xbb: {  	[dreg:$0x1] =	wrdreg $0xFFFFFFFF  }
0xbc: {  	[dreg:$0x0] =	wrdreg $0x60  }
0xbd: {  	[dreg:$0x2] =	wrdreg s24  }
0xbe: {  	[dreg:$0x3] =	wrdreg $0xA  }
0xbf: {  	_ =	task.clear_ibuf [dreg:s22], $0x4FFFF;
	_ =	strace $0x90000049  }
0xc0: {  	s29 =	simm.s32 $0xA;
	_ =	strace $0x8000004B  }
0xc1: {  	_ =	swait.ge [sflag:s29], $0x1  }
0xc2: {  	[sflag:s29] =	ssyncadd.s32 $0xFFFFFFFF  }
0xc3: {  	_ =	strace $0x9000004B  }
0xc4: {  	_ =	sfence  }
0xc5: {  	s30 =	sld [smem:$0x0];
	_ =	sdelay $0x2  }
0xc6: {  	s31 =	sshll.u32 s1, $0xD;
	s1 =	sshrl.u32 s1, $0x2  }
0xc7: {  	s4 =	sand.u32 $0x4000, s31;
	s1 =	sadd.s32 s1, s30  }
0xc8: {  	s0 =	sor.u32 s4, s0;
	s1 =	sshll.u32 s1, $0x11  }
0xc9: {  	s0 =	sor.u32 s1, s0  }
0xca: {  	s0 =	sadd.s32 $0x8F2B, s0  }
0xcb: {  	[sflag:s0] =	ssyncadd.remote.s32 $0x1  }
0xcc: {  	_ =	sfence.sel $0xFFFF  }
0xcd: {  	[dreg:$0x0] =	wrdreg $0xFFFFFFFF;
	(pc) =	sbr.abs _section_cstart, $3  }
0xce: {  	[dreg:$0x1] =	wrdreg $0xFFFFFFFF  }
0xcf: {  	_ =	task.clear_ibuf [dreg:s22], $0x2FFFF;
	_ =	strace $0x9FFFFFFF  }
0xd0: {  	(tm) =	ssettm $0x7FFFFFFF  }
0xd1: {  	_ =	shalt  }
tec
execute0_lowered:
.L_overlay_start_1:
0x0: {  	(tag) =	ssettag $0x1  }
0x1: {  	s1 =	srdreg.scid  }
0x2: {  	s0 =	stileid.u32;
	s18 =	sand.u32 $0x1, s1  }
0x3: {  	s12 =	rddreg [dreg:$0x0];
	s3 =	sshll.u32 s0, $0x7;
	s4 =	sshll.u32 s18, $0x6  }
0x4: {  	s2 =	simm.s32 $0x0;
	s1 =	rddreg [dreg:$0x1];
	s3 =	sor.u32 s4, s3  }
0x5: {  	[smem:$0x7FF] =	sst s2;
	s7 =	sadd.s32 s3, s12  }
0x6: {  	_ =	strace $0x8000004A;
	s4 =	simm.s32 $0x2;
	s3 =	sadd.s32 $0x3C0600, s7  }
0x7: {  	[tilespmem:s2], [sflag:$0x2] =	stream.linear.gather [hbm4b:s3+s2], $0x200, $0x38;
	[tilespmem:$0x600] =	vst v63  }
0x8: {  	_ =	swait.ge [sflag:s4], $0x200  }
0x9: {  	[sflag:s4] =	ssyncset.done $0x0  }
0xa: {  	s6 =	simm.s32 $0x200;
	s5 =	sadd.s32 $0x3C1600, s7;
	[sflag:s4] =	ssyncadd.s32 $0xFFFFFE00  }
0xb: {  	[tilespmem:s6], [sflag:$0x2] =	stream.linear.gather [hbm4b:s5+s2], $0x200, $0x38;
	[tilespmem:$0x600] =	vst v63  }
0xc: {  	_ =	swait.ge [sflag:s4], $0x200  }
0xd: {  	[sflag:s4] =	ssyncset.done $0x0  }
0xe: {  	s8 =	simm.s32 $0x400;
	s7 =	sadd.s32 $0x3C0E00, s7;
	[sflag:s4] =	ssyncadd.s32 $0xFFFFFE00  }
0xf: {  	[tilespmem:s8], [sflag:$0x2] =	stream.linear.gather [hbm4b:s7+s2], $0x200, $0x38;
	[tilespmem:$0x600] =	vst v63  }
0x10: {  	_ =	swait.ge [sflag:s4], $0x200  }
0x11: {  	s11 =	simm.s32 $0x80;
	[sflag:s4] =	ssyncset.done $0x0  }
0x12: {  	s10 =	simm.s32 $0x1;
	s9 =	sadd.s32 $0x3C2600, s12;
	[sflag:s4] =	ssyncadd.s32 $0xFFFFFE00  }
0x13: {  	[hbm4b:s9+s11] =	stream.indirect.scatter [tilespmem:s2], [sflag:$0x1], $0x1, s8, s11, $0xb8;
	[tilespmem:$0x600] =	vst v63  }
0x14: {  	_ =	swait.ge [sflag:s10], $0x80  }
0x15: {  	[sflag:s10] =	ssyncset.done $0x0  }
0x16: {  	s12 =	sadd.s32 $0x3C1E00, s12;
	[sflag:s10] =	ssyncadd.s32 $0xFFFFFF80  }
0x17: {  	[hbm4b:s12+s11] =	stream.indirect.scatter [tilespmem:s6], [sflag:$0x1], $0x1, s8, s11, $0xb8;
	[tilespmem:$0x600] =	vst v63  }
0x18: {  	_ =	swait.ge [sflag:s10], $0x80  }
0x19: {  	[sflag:s10] =	ssyncset.done $0x0  }
0x1a: {  	s13 =	simm.s32 $0x480;
	[sflag:s10] =	ssyncadd.s32 $0xFFFFFF80  }
0x1b: {  	[hbm4b:s9+s11] =	stream.indirect.scatter [tilespmem:s11], [sflag:$0x1], $0x1, s13, s11, $0xb8;
	[tilespmem:$0x600] =	vst v63  }
0x1c: {  	_ =	swait.ge [sflag:s10], $0x80  }
0x1d: {  	[sflag:s10] =	ssyncset.done $0x0  }
0x1e: {  	s14 =	simm.s32 $0x280;
	[sflag:s10] =	ssyncadd.s32 $0xFFFFFF80  }
0x1f: {  	[hbm4b:s12+s11] =	stream.indirect.scatter [tilespmem:s14], [sflag:$0x1], $0x1, s13, s11, $0xb8;
	[tilespmem:$0x600] =	vst v63  }
0x20: {  	_ =	swait.ge [sflag:s10], $0x80  }
0x21: {  	[sflag:s10] =	ssyncset.done $0x0  }
0x22: {  	s15 =	simm.s32 $0x500;
	s16 =	simm.s32 $0x100;
	[sflag:s10] =	ssyncadd.s32 $0xFFFFFF80  }
0x23: {  	[hbm4b:s9+s11] =	stream.indirect.scatter [tilespmem:s16], [sflag:$0x1], $0x1, s15, s11, $0xb8;
	[tilespmem:$0x600] =	vst v63  }
0x24: {  	_ =	swait.ge [sflag:s10], $0x80  }
0x25: {  	[sflag:s10] =	ssyncset.done $0x0  }
0x26: {  	s17 =	simm.s32 $0x300;
	s20 =	ssub.s32 $0x2, s18;
	[sflag:s10] =	ssyncadd.s32 $0xFFFFFF80  }
0x27: {  	[hbm4b:s12+s11] =	stream.indirect.scatter [tilespmem:s17], [sflag:$0x1], $0x1, s15, s11, $0xb8;
	[tilespmem:$0x600] =	vst v63  }
0x28: {  	s21 =	sshrl.u32 s20, $0x1;
	_ =	swait.ge [sflag:s10], $0x80  }
0x29: {  	s19 =	simm.s32 $0x180;
	s20 =	ssub.s32 s20, s21;
	[sflag:s10] =	ssyncset.done $0x0  }
0x2a: {  	s18 =	simm.s32 $0x580;
	s21 =	smax.u32 s20, $0x1;
	[sflag:s10] =	ssyncadd.s32 $0xFFFFFF80  }
0x2b: {  	[hbm4b:s9+s11] =	stream.indirect.scatter [tilespmem:s19], [sflag:$0x1], $0x1, s18, s11, $0xb8;
	[tilespmem:$0x600] =	vst v63  }
0x2c: {  	p0 =	sne.s32 s21, $0x1;
	_ =	swait.ge [sflag:s10], $0x80  }
.Ltmp0:
0x2d: {  	[sflag:s10] =	ssyncset.done $0x0;
	(pc) =	sbr.rel @!p0 .LBB2_2-.Ltmp0, $4  }
0x2e: {  	s20 =	simm.s32 $0x380;
	[sflag:s10] =	ssyncadd.s32 $0xFFFFFF80  }
0x2f: {  	[hbm4b:s12+s11] =	stream.indirect.scatter [tilespmem:s20], [sflag:$0x1], $0x1, s18, s11, $0xb8;
	[tilespmem:$0x600] =	vst v63  }
0x30: {  	_ =	swait.ge [sflag:s10], $0x80  }
0x31: {  	s21 =	sadd.s32 $0xFFFFFFFF, s21;
	[sflag:s10] =	ssyncset.done $0x0  }
.LBB2_1:
0x32: {  	p0 =	sne.s32 s21, $0x1;
	s21 =	sadd.s32 $0xFFFFFFFF, s21;
	[sflag:s10] =	ssyncadd.s32 $0xFFFFFF80  }
0x33: {  	[tilespmem:s2], [sflag:$0x2] =	stream.linear.gather [hbm4b:s3+s2], $0x200, $0x38;
	[tilespmem:$0x600] =	vst v63  }
0x34: {  	_ =	swait.ge [sflag:s4], $0x200  }
0x35: {  	[sflag:s4] =	ssyncset.done $0x0  }
0x36: {  	[sflag:s4] =	ssyncadd.s32 $0xFFFFFE00  }
0x37: {  	[tilespmem:s6], [sflag:$0x2] =	stream.linear.gather [hbm4b:s5+s2], $0x200, $0x38;
	[tilespmem:$0x600] =	vst v63  }
0x38: {  	_ =	swait.ge [sflag:s4], $0x200  }
0x39: {  	[sflag:s4] =	ssyncset.done $0x0  }
0x3a: {  	[sflag:s4] =	ssyncadd.s32 $0xFFFFFE00  }
0x3b: {  	[tilespmem:s8], [sflag:$0x2] =	stream.linear.gather [hbm4b:s7+s2], $0x200, $0x38;
	[tilespmem:$0x600] =	vst v63  }
0x3c: {  	_ =	swait.ge [sflag:s4], $0x200  }
0x3d: {  	[sflag:s4] =	ssyncset.done $0x0  }
0x3e: {  	[sflag:s4] =	ssyncadd.s32 $0xFFFFFE00  }
0x3f: {  	[hbm4b:s9+s11] =	stream.indirect.scatter [tilespmem:s2], [sflag:$0x1], $0x1, s8, s11, $0xb8;
	[tilespmem:$0x600] =	vst v63  }
0x40: {  	_ =	swait.ge [sflag:s10], $0x80  }
0x41: {  	[sflag:s10] =	ssyncset.done $0x0  }
0x42: {  	[sflag:s10] =	ssyncadd.s32 $0xFFFFFF80  }
0x43: {  	[hbm4b:s12+s11] =	stream.indirect.scatter [tilespmem:s6], [sflag:$0x1], $0x1, s8, s11, $0xb8;
	[tilespmem:$0x600] =	vst v63  }
0x44: {  	_ =	swait.ge [sflag:s10], $0x80  }
0x45: {  	[sflag:s10] =	ssyncset.done $0x0  }
0x46: {  	[sflag:s10] =	ssyncadd.s32 $0xFFFFFF80  }
0x47: {  	[hbm4b:s9+s11] =	stream.indirect.scatter [tilespmem:s11], [sflag:$0x1], $0x1, s13, s11, $0xb8;
	[tilespmem:$0x600] =	vst v63  }
0x48: {  	_ =	swait.ge [sflag:s10], $0x80  }
0x49: {  	[sflag:s10] =	ssyncset.done $0x0  }
0x4a: {  	[sflag:s10] =	ssyncadd.s32 $0xFFFFFF80  }
0x4b: {  	[hbm4b:s12+s11] =	stream.indirect.scatter [tilespmem:s14], [sflag:$0x1], $0x1, s13, s11, $0xb8;
	[tilespmem:$0x600] =	vst v63  }
0x4c: {  	_ =	swait.ge [sflag:s10], $0x80  }
0x4d: {  	[sflag:s10] =	ssyncset.done $0x0  }
0x4e: {  	[sflag:s10] =	ssyncadd.s32 $0xFFFFFF80  }
0x4f: {  	[hbm4b:s9+s11] =	stream.indirect.scatter [tilespmem:s16], [sflag:$0x1], $0x1, s15, s11, $0xb8;
	[tilespmem:$0x600] =	vst v63  }
0x50: {  	_ =	swait.ge [sflag:s10], $0x80  }
0x51: {  	[sflag:s10] =	ssyncset.done $0x0  }
0x52: {  	[sflag:s10] =	ssyncadd.s32 $0xFFFFFF80  }
0x53: {  	[hbm4b:s12+s11] =	stream.indirect.scatter [tilespmem:s17], [sflag:$0x1], $0x1, s15, s11, $0xb8;
	[tilespmem:$0x600] =	vst v63  }
0x54: {  	_ =	swait.ge [sflag:s10], $0x80  }
0x55: {  	[sflag:s10] =	ssyncset.done $0x0  }
0x56: {  	[sflag:s10] =	ssyncadd.s32 $0xFFFFFF80  }
0x57: {  	[hbm4b:s9+s11] =	stream.indirect.scatter [tilespmem:s19], [sflag:$0x1], $0x1, s18, s11, $0xb8;
	[tilespmem:$0x600] =	vst v63  }
0x58: {  	_ =	swait.ge [sflag:s10], $0x80  }
.Ltmp1:
0x59: {  	[sflag:s10] =	ssyncset.done $0x0;
	(pc) =	sbr.rel @p0 .LBB2_1-.Ltmp1, $4  }
0x5a: {  	[sflag:s10] =	ssyncadd.s32 $0xFFFFFF80  }
0x5b: {  	[hbm4b:s12+s11] =	stream.indirect.scatter [tilespmem:s20], [sflag:$0x1], $0x1, s18, s11, $0xb8;
	[tilespmem:$0x600] =	vst v63  }
0x5c: {  	_ =	swait.ge [sflag:s10], $0x80  }
0x5d: {  	[sflag:s10] =	ssyncset.done $0x0  }
.LBB2_2:
0x5e: {  	[sflag:s10] =	ssyncadd.s32 $0xFFFFFF80  }
0x5f: {  	_ =	sfence.sel $0x180000  }
0x60: {  	[bflag:$0x0] =	sbarrier.arrive $0xFFFF  }
0x61: {  	p0 =	sne.s32 s0, $0x0;
	_ =	strace $0x9000004A  }
0x62: {  	s0 =	sadd.s32 @!p0 $0x100000, s1;
	[bflag:$0x2] =	sbarrier.arrive $0xFFFF  }
0x63: {  	[sflag:s0] =	ssyncadd.tile.s32 @!p0 $0x1;
	_ =	shalt  }
.Lfunc_end2:
_tile_overlayer_lowered:
.L_overlay_start_2:
0x64: {  	(tag) =	ssettag $0x2  }
0x65: {  	s0 =	rddreg [dreg:$0x0];
	s2 =	stileid.u32  }
0x66: {  	s1 =	rddreg [dreg:$0x1];
	p0 =	sne.s32 s2, $0x0  }
0x67: {  	s3 =	rddreg [dreg:$0x2];
	[bflag:$0x3] =	sbarrier.arrive $0xFFFF;
	s2 =	simm.s32 @!p0 $0x1C02  }
0x68: {  	[timem:s3], [sflag:s2] =	dma.local @!p0 [hbm:s0], s1  }
0x69: {  	s0 =	simm.s32 @!p0 $0x2  }
0x6a: {  	_ =	swait.ge @!p0 [sflag:s0], s1  }
0x6b: {  	s1 =	ssub.s32 @!p0 $0x0, s1;
	[sflag:s0] =	ssyncset.done @!p0 $0x0  }
0x6c: {  	[sflag:s0] =	ssyncadd.s32 @!p0 s1  }
0x6d: {  	[bflag:$0x3] =	sbarrier.arrive $0xFFFF  }
0x6e: {  	_ =	shalt  }

// kernel: kernel.9.cloned.1.call-start
scs
__scs_entry_jumppad:
0x0: {  	(pc) =	sbr.rel $0x88, $3  }
0x1: {  	(tag) =	ssettag $0x0;
	lr =	simm.s32 $0x1  }
0x2: {  	[smem:$0x3F9E] =	sst lr;
	_ =	strace $0xD0000000  }
0x3: {  	_ = 	snop  }
0x4: {  	_ = 	snop  }
0x5: {  	_ = 	snop  }
0x6: {  	_ = 	snop  }
0x7: {  	_ = 	snop  }
__scs_overlays_trampoline_lowered:
0x8: {  	[smem:$0x3FAD] =	sst s0  }
0x9: {  	[smem:$0x3FAE] =	sst s1  }
0xa: {  	[smem:$0x3FAF] =	sst s2  }
0xb: {  	[smem:$0x3FB0] =	sst s3  }
0xc: {  	[smem:$0x3FB1] =	sst s4  }
0xd: {  	[smem:$0x3FB2] =	sst s5  }
0xe: {  	[smem:$0x3FB3] =	sst s6  }
0xf: {  	[smem:$0x3FB4] =	sst s7  }
0x10: {  	[smem:$0x3FB5] =	sst s8  }
0x11: {  	[smem:$0x3FB6] =	sst s9;
	s0 =	simm.s32 @!p0 $0x0  }
0x12: {  	s1 =	sld [smem:$0x3F9C];
	s0 =	simm.s32 @p0 $0x1  }
0x13: {  	[smem:$0x3FB7] =	sst s0;
	s0 =	simm.s32 @!p1 $0x0  }
0x14: {  	s2 =	sld [smem:$0x3F9B];
	s0 =	simm.s32 @p1 $0x1  }
0x15: {  	[smem:$0x3FB8] =	sst s0;
	s0 =	simm.s32 @!p2 $0x0  }
0x16: {  	s3 =	sld [smem:$0x3FDB];
	s0 =	simm.s32 @p2 $0x1  }
0x17: {  	s4 =	simm.s32 $0x1BF5;
	[smem:$0x3FBA] =	sst s0  }
0x18: {  	s0 =	sld [smem:$0x3F9D];
	_ =	swait.ge [sflag:s4], $0x0  }
0x19: {  	s7 =	sld [smem:$0x3F9E]  }
0x1a: {  	s8 =	sadd.s32 $0xFFFFE003, lr  }
0x1b: {  	s9 =	sadd.s32 $0xFFFFFEF7, lr;
	s5 =	simm.s32 $0xFFFFFFFF;
	p2 =	slt.u32 s8, $0xFFFFF086  }
0x1c: {  	p1 =	slt.u32 s9, $0xF7A;
	s5 =	simm.s32 @!p2 $0x0  }
0x1d: {  	s5 =	simm.s32 @p1 $0x1;
	p0 =	seq.s32 s7, s2  }
0x1e: {  	s7 =	smul.u32 @!p0 $0xF7A, s2;
	p2 =	seq.s32 @!p0 s5, $0x0  }
0x1f: {  	s9 =	smul.u32 $0xF7A, s1;
	s8 =	simm.s32 @!p0 $0x1BF5;
	p2 =	por !p2, p0  }
0x20: {  	[sflag:s8] =	ssyncset.s32 @!p0 $0xFFFFF086;
	s6 =	sadd.s32 @!p0 s3, s7;
	s7 =	simm.s32 @!p0 $0x108  }
0x21: {  	s3 =	sadd.s32 s3, s9;
	s6 =	sadd.s32 @!p0 $0x88, s6;
	s7 =	simm.s32 @p2 $0x1082  }
0x22: {  	[simem:s7], [sflag:s8] =	dma.local @!p0 [hbm:s6], $0xF7A  }
0x23: {  	s9 =	sor.u32 $0xD0000000, s2;
	s6 =	simm.s32 $0x108;
	_ =	swait.ge @!p0 [sflag:s8], $0x0  }
0x24: {  	s3 =	sadd.s32 $0x88, s3;
	s6 =	simm.s32 @!p1 $0x1082;
	[sflag:s4] =	ssyncset.s32 $0xFFFFF086  }
0x25: {  	[simem:s6], [sflag:s4] =	dma.local [hbm:s3], $0xF7A  }
0x26: {  	[smem:$0x3F9E] =	sst s1;
	(tag) =	ssettag s2;
	_ =	strace s9  }
0x27: {  	s1 =	sld [smem:$0x3FAE]  }
0x28: {  	s2 =	sld [smem:$0x3FAF]  }
0x29: {  	s4 =	sld [smem:$0x3FB1]  }
0x2a: {  	p0 =	seq.s32 s5, $0x0;
	s5 =	sld [smem:$0x3FB2]  }
0x2b: {  	s6 =	sld [smem:$0x3FB3]  }
0x2c: {  	s7 =	sld [smem:$0x3FB4]  }
0x2d: {  	s3 =	simm.s32 $0x108;
	s8 =	sld [smem:$0x3FB5]  }
0x2e: {  	s3 =	simm.s32 @!p0 $0x1082;
	s9 =	sld [smem:$0x3FB6]  }
0x2f: {  	lr =	sadd.s32 s0, s3;
	s0 =	sld [smem:$0x3FAD]  }
0x30: {  	s3 =	sld [smem:$0x3FB0]  }
0x31: {  	[smem:$0x3FB9] =	sst s10  }
0x32: {  	s10 =	sld [smem:$0x3FB7];
	_ =	sdelay $0x3  }
0x33: {  	p0 =	seq.s32 s10, $0x1;
	s10 =	sld [smem:$0x3FB9];
	_ =	sdelay $0x3  }
0x34: {  	[smem:$0x3FB9] =	sst s10  }
0x35: {  	s10 =	sld [smem:$0x3FB8];
	_ =	sdelay $0x3  }
0x36: {  	p1 =	seq.s32 s10, $0x1;
	s10 =	sld [smem:$0x3FB9];
	_ =	sdelay $0x3  }
0x37: {  	[smem:$0x3FB9] =	sst s10  }
0x38: {  	s10 =	sld [smem:$0x3FBA]  }
0x39: {  	_ = 	snop;
	(pc) =	sbr.ind lr, $3  }
0x3a: {  	_ = 	snop  }
0x3b: {  	_ = 	snop  }
0x3c: {  	p2 =	seq.s32 s10, $0x1;
	s10 =	sld [smem:$0x3FB9]  }
0x3d: {  	_ =	shalt  }
0x3e: {  	_ =	shalt  }
0x3f: {  	_ =	shalt  }
0x40: {  	_ =	shalt  }
0x41: {  	_ =	shalt  }
0x42: {  	_ =	shalt  }
0x43: {  	_ =	shalt  }
0x44: {  	_ =	shalt  }
0x45: {  	_ =	shalt  }
0x46: {  	_ =	shalt  }
0x47: {  	_ =	shalt  }
0x48: {  	_ =	shalt  }
0x49: {  	_ =	shalt  }
0x4a: {  	_ =	shalt  }
0x4b: {  	_ =	shalt  }
0x4c: {  	_ =	shalt  }
0x4d: {  	_ =	shalt  }
0x4e: {  	_ =	shalt  }
0x4f: {  	_ =	shalt  }
0x50: {  	_ =	shalt  }
0x51: {  	_ =	shalt  }
0x52: {  	_ =	shalt  }
0x53: {  	_ =	shalt  }
0x54: {  	_ =	shalt  }
0x55: {  	_ =	shalt  }
0x56: {  	_ =	shalt  }
0x57: {  	_ =	shalt  }
0x58: {  	_ =	shalt  }
0x59: {  	_ =	shalt  }
0x5a: {  	_ =	shalt  }
0x5b: {  	_ =	shalt  }
0x5c: {  	_ =	shalt  }
0x5d: {  	_ =	shalt  }
0x5e: {  	_ =	shalt  }
0x5f: {  	_ =	shalt  }
0x60: {  	_ =	shalt  }
0x61: {  	_ =	shalt  }
0x62: {  	_ =	shalt  }
0x63: {  	_ =	shalt  }
0x64: {  	_ =	shalt  }
0x65: {  	_ =	shalt  }
0x66: {  	_ =	shalt  }
0x67: {  	_ =	shalt  }
0x68: {  	_ =	shalt  }
0x69: {  	_ =	shalt  }
0x6a: {  	_ =	shalt  }
0x6b: {  	_ =	shalt  }
0x6c: {  	_ =	shalt  }
0x6d: {  	_ =	shalt  }
0x6e: {  	_ =	shalt  }
0x6f: {  	_ =	shalt  }
0x70: {  	_ =	shalt  }
0x71: {  	_ =	shalt  }
0x72: {  	_ =	shalt  }
0x73: {  	_ =	shalt  }
0x74: {  	_ =	shalt  }
0x75: {  	_ =	shalt  }
0x76: {  	_ =	shalt  }
0x77: {  	_ =	shalt  }
0x78: {  	_ =	shalt  }
0x79: {  	_ =	shalt  }
0x7a: {  	_ =	shalt  }
0x7b: {  	_ =	shalt  }
0x7c: {  	_ =	shalt  }
0x7d: {  	_ =	shalt  }
0x7e: {  	_ =	shalt  }
0x7f: {  	_ =	shalt  }
0x80: {  	_ =	shalt  }
0x81: {  	_ =	shalt  }
0x82: {  	_ =	shalt  }
0x83: {  	_ =	shalt  }
0x84: {  	_ =	shalt  }
0x85: {  	_ =	shalt  }
0x86: {  	_ =	shalt  }
0x87: {  	_ =	shalt  }
.Lfunc_end0:
.L_simem_size_0:
called_computation.3_lowered:
.L_overlay_start_0:
0x88: {  	s2 =	sld [smem:$0x3FD9]  }
0x89: {  	s3 =	sld [smem:$0x3FFE];
	_ =	sdelay $0x1  }
0x8a: {  	s1 =	srdreg.scid  }
0x8b: {  	s0 =	sand.u32 $0x1, s1  }
0x8c: {  	s17 =	sshll.u32 s0, $0xA;
	s2 =	sadd.s32 s3, s2  }
0x8d: {  	s2 =	sadd.s32 s2, s17  }
0x8e: {  	[smem:$0x3FC5] =	sst s2  }
0x8f: {  	_ = 	snop  }
0x90: {  	s18 =	sld [smem:$0x3FC8];
	(tm) =	ssettm $0x1  }
0x91: {  	s19 =	sld [smem:$0x3FFB];
	_ =	sdelay $0x3  }
0x92: {  	_ =	strace s19  }
0x93: {  	s2 =	sld [smem:$0x3FFC];
	_ =	sdelay $0x3  }
0x94: {  	_ =	strace s2  }
0x95: {  	s2 =	sld [smem:$0x3FFD];
	_ =	sdelay $0x3  }
0x96: {  	_ =	strace s2  }
0x97: {  	_ =	strace $0x8FFFFFFF  }
0x98: {  	s20 =	sld [smem:$0x3FDB];
	_ =	sdelay $0x1  }
0x99: {  	s4 =	simm.s32 $_scs_section_size  }
0x9a: {  	s5 =	simm.s32 $_size__tile_overlayer_lowered;
	s6 =	simm.s32 $_tile_overlayer_lowered  }
0x9b: {  	s7 =	simm.s32 $0x1BFF;
	s21 =	sshll.u32 s6, $0x1;
	s4 =	sadd.s32 s4, s20  }
0x9c: {  	s22 =	simm.s32 $0x0;
	s5 =	sshll.u32 s5, $0x1;
	s6 =	sadd.s32 s21, s4  }
0x9d: {  	[timem:s22], [sflag:s7] =	dma.local [hbm:s6], s5  }
0x9e: {  	_ =	swait.ge [sflag:s7], s5  }
0x9f: {  	s5 =	ssub.s32 $0x0, s5;
	[sflag:s7] =	ssyncset.done $0x0  }
0xa0: {  	[sflag:s7] =	ssyncadd.s32 s5;
	_ =	sdelay $0x1  }
0xa1: {  	s23 =	simm.s32 $0x1B8B  }
0xa2: {  	_ =	swait.ge [sflag:s23], $0x1  }
0xa3: {  	[sflag:s23] =	ssyncset.done $0x0  }
0xa4: {  	[sflag:s23] =	ssyncadd.s32 $0xFFFFFFFF  }
0xa5: {  	s5 =	sld [smem:$0x0]  }
0xa6: {  	s6 =	sand.u32 $0xFFFFFFFE, s1  }
0xa7: {  	p0 =	sne.s32 s1, s6  }
0xa8: {  	s6 =	sshll.u32 @p0 s6, $0xE  }
0xa9: {  	s6 =	sadd.s32 @p0 $0x11B8D, s6;
	s7 =	sshll.u32 @p0 s5, $0x11  }
0xaa: {  	s6 =	sor.u32 @p0 s7, s6  }
0xab: {  	[sflag:s6] =	ssyncadd.remote.s32 @p0 $0x1;
	_ =	sdelay $0x1  }
0xac: {  	s6 =	simm.s32 @p0 $0x1B8D  }
0xad: {  	_ =	swait.eq @p0 [sflag:s6], $0x1  }
0xae: {  	[sflag:s6] =	ssyncadd.s32 @p0 $0xFFFFFFFF  }
0xaf: {  	s7 =	sshll.u32 @!p0 s1, $0xE  }
0xb0: {  	s7 =	sor.u32 @!p0 $0x4000, s7;
	s6 =	simm.s32 @!p0 $0x1B8D  }
0xb1: {  	s5 =	sshll.u32 @!p0 s5, $0x11;
	s7 =	sadd.s32 @!p0 $0x11B8D, s7;
	_ =	swait.eq @!p0 [sflag:s6], $0x1  }
0xb2: {  	s5 =	sor.u32 @!p0 s5, s7;
	[sflag:s6] =	ssyncadd.s32 @!p0 $0xFFFFFFFF  }
0xb3: {  	s25 =	simm.s32 $0x1B8E;
	s24 =	sld [smem:$0x3FFE];
	[sflag:s5] =	ssyncadd.remote.s32 @!p0 $0x1  }
0xb4: {  	s26 =	simm.s32 $execute0_lowered;
	[smem:$0x3FD2] =	sst s25  }
0xb5: {  	s6 =	sshll.u32 s26, $0x1;
	_ =	strace $0x8000004F;
	[dreg:$0x1] =	wrdreg $0xFFFFFFFF  }
0xb6: {  	s28 =	simm.s32 $_size_execute0_lowered;
	s4 =	sadd.s32 s4, s6;
	[dreg:$0x0] =	wrdreg $0x0  }
0xb7: {  	s6 =	sshll.u32 s28, $0x1;
	[dreg:$0x2] =	wrdreg s4  }
0xb8: {  	[dreg:$0x3] =	wrdreg s6  }
0xb9: {  	[dreg:$0x4] =	wrdreg $0xC0  }
0xba: {  	_ =	task [dreg:s22], $0x5FFFF  }
0xbb: {  	[dreg:$0x1] =	wrdreg $0xFFFFFFFF  }
0xbc: {  	[dreg:$0x0] =	wrdreg $0x60  }
0xbd: {  	[dreg:$0x2] =	wrdreg s18  }
0xbe: {  	[dreg:$0x3] =	wrdreg s24  }
0xbf: {  	[dreg:$0x4] =	wrdreg $0xA  }
0xc0: {  	_ =	task.clear_ibuf [dreg:s22], $0x5FFFF;
	_ =	strace $0x9000004F  }
0xc1: {  	s29 =	simm.s32 $0xA;
	_ =	strace $0x80000051  }
0xc2: {  	_ =	swait.ge [sflag:s29], $0x1  }
0xc3: {  	[sflag:s29] =	ssyncadd.s32 $0xFFFFFFFF  }
0xc4: {  	_ =	strace $0x90000051  }
0xc5: {  	_ =	sfence  }
0xc6: {  	s30 =	sld [smem:$0x0];
	_ =	sdelay $0x2  }
0xc7: {  	s31 =	sshll.u32 s1, $0xD;
	s1 =	sshrl.u32 s1, $0x2  }
0xc8: {  	s4 =	sand.u32 $0x4000, s31;
	s1 =	sadd.s32 s1, s30  }
0xc9: {  	s0 =	sor.u32 s4, s0;
	s1 =	sshll.u32 s1, $0x11  }
0xca: {  	s0 =	sor.u32 s1, s0  }
0xcb: {  	s0 =	sadd.s32 $0x8F2B, s0  }
0xcc: {  	[sflag:s0] =	ssyncadd.remote.s32 $0x1  }
0xcd: {  	_ =	sfence.sel $0xFFFF  }
0xce: {  	[dreg:$0x0] =	wrdreg $0xFFFFFFFF;
	(pc) =	sbr.abs _section_cstart, $3  }
0xcf: {  	[dreg:$0x1] =	wrdreg $0xFFFFFFFF  }
0xd0: {  	_ =	task.clear_ibuf [dreg:s22], $0x2FFFF;
	_ =	strace $0x9FFFFFFF  }
0xd1: {  	(tm) =	ssettm $0x7FFFFFFF  }
tec
execute0_lowered:
.L_overlay_start_1:
0x0: {  	(tag) =	ssettag $0x1  }
0x1: {  	s1 =	rddreg [dreg:$0x0]  }
0x2: {  	s4 =	rddreg [dreg:$0x1]  }
0x3: {  	s0 =	rddreg [dreg:$0x2]  }
0x4: {  	s5 =	srdreg.scid;
	s3 =	simm.s32 $0x0;
	s2 =	stileid.u32  }
0x5: {  	s9 =	simm.s32 $0x80;
	s10 =	simm.s32 $0x880;
	s11 =	simm.s32 $0x1080  }
0x6: {  	s12 =	simm.s32 $0x1880;
	s13 =	simm.s32 $0x2080;
	s14 =	simm.s32 $0x2880  }
0x7: {  	s15 =	simm.s32 $0x3080;
	s16 =	simm.s32 $0x3880;
	s5 =	sand.u32 $0x1, s5  }
0x8: {  	s17 =	simm.s32 $0x1;
	s6 =	sshll.u32 s2, $0x6;
	s7 =	sshll.u32 s5, $0x5  }
0x9: {  	[smem:$0x7FF] =	sst s3;
	s5 =	ssub.s32 $0x2, s5;
	s6 =	sor.u32 s7, s6  }
0xa: {  	_ =	strace $0x80000050;
	s31 =	sshrl.u32 s5, $0x1;
	s7 =	sshrl.u32 s6, $0x3  }
0xb: {  	v2 =	vlaneseq.u32;
	s6 =	sshll.u32 s6, $0x6;
	s8 =	ssub.s32 s5, s31;
	s7 =	sadd.s32 s7, s4  }
0xc: {  	vm0 =	vmmov $0xffff;
	v1 =	vshrl.u32 v2, $0x3;
	s5 =	sadd.s32 $0x100, s1;
	s6 =	sadd.s32 s6, s4;
	s4 =	sadd.s32 $0x23A400, s7  }
0xd: {  	v0 =	vand.u32 $0x7, v2;
	v2 =	vor.u32 $0x8, v2;
	v1 =	vmul.u32 $0x8, v1;
	s6 =	sadd.s32 $0x249600, s6;
	s7 =	smax.u32 s8, $0x1;
	s8 =	simm.s32 $0x2  }
.LBB2_1:
0xe: {  	[tilespmem:s3], [sflag:$0x2] =	stream.linear.gather [hbm4b:s4+s3], $0x20, $0x38;
	[tilespmem:$0x4080] =	vst v63  }
0xf: {  	_ =	swait.ge [sflag:s8], $0x20  }
0x10: {  	[sflag:s8] =	ssyncset.done $0x0  }
0x11: {  	[sflag:s8] =	ssyncadd.s32 $0xFFFFFFE0  }
0x12: {  	v3 =	vld [tilespmem:$0x0];
	_ =	sdelay $0x4  }
0x13: {  	v4 =	vshll.u32 v3, $0x2  }
0x14: {  	v3 =	vand.u32 $0x7, v3;
	v4 =	vand.u32 $0xFFFFFFE0, v4  }
0x15: {  	v3 =	vor.u32 v3, v4  }
0x16: {  	v4 =	vperm.xlane v3, v0;
	_ =	sdelay $0x1  }
0x17: {  	v4 =	vadd.s32 v1, v4;
	_ =	sdelay $0x1  }
0x18: {  	v3 =	vperm.xlane v3, v2;
	_ =	sdelay $0x1  }
0x19: {  	v3 =	vadd.s32 v1, v3  }
0x1a: {  	[tilespmem:s9], [sflag:$0x1] =	stream.indirect_vreg.gather [hbm4b:s1+s3], $0x80, v4, vm0, $0xb8;
	[tilespmem:$0x4080] =	vst v63  }
0x1b: {  	_ = 	snop  }
0x1c: {  	[tilespmem:s10], [sflag:$0x1] =	stream.indirect_vreg.gather [hbm4b:s5+s3], $0x80, v4, vm0, $0xb8;
	[tilespmem:$0x4080] =	vst v63  }
0x1d: {  	_ = 	snop  }
0x1e: {  	[tilespmem:s11], [sflag:$0x1] =	stream.indirect_vreg.gather [hbm4b:s1+s3], $0x80, v3, vm0, $0xb8;
	[tilespmem:$0x4080] =	vst v63  }
0x1f: {  	_ = 	snop  }
0x20: {  	[tilespmem:s12], [sflag:$0x1] =	stream.indirect_vreg.gather [hbm4b:s5+s3], $0x80, v3, vm0, $0xb8;
	[tilespmem:$0x4080] =	vst v63  }
0x21: {  	v3 =	vld [tilespmem:$0x10];
	_ =	sdelay $0x4  }
0x22: {  	v63 =	vshll.u32 v3, $0x2  }
0x23: {  	v3 =	vand.u32 $0x7, v3;
	v4 =	vand.u32 $0xFFFFFFE0, v63  }
0x24: {  	v3 =	vor.u32 v3, v4  }
0x25: {  	v4 =	vperm.xlane v3, v0;
	_ =	sdelay $0x1  }
0x26: {  	v4 =	vadd.s32 v1, v4;
	_ =	sdelay $0x1  }
0x27: {  	v3 =	vperm.xlane v3, v2;
	_ =	sdelay $0x1  }
0x28: {  	v3 =	vadd.s32 v1, v3  }
0x29: {  	[tilespmem:s13], [sflag:$0x1] =	stream.indirect_vreg.gather [hbm4b:s1+s3], $0x80, v4, vm0, $0xb8;
	[tilespmem:$0x4080] =	vst v63  }
0x2a: {  	_ = 	snop  }
0x2b: {  	[tilespmem:s14], [sflag:$0x1] =	stream.indirect_vreg.gather [hbm4b:s5+s3], $0x80, v4, vm0, $0xb8;
	[tilespmem:$0x4080] =	vst v63  }
0x2c: {  	_ = 	snop  }
0x2d: {  	[tilespmem:s15], [sflag:$0x1] =	stream.indirect_vreg.gather [hbm4b:s1+s3], $0x80, v3, vm0, $0xb8;
	[tilespmem:$0x4080] =	vst v63  }
0x2e: {  	_ = 	snop  }
0x2f: {  	[tilespmem:s16], [sflag:$0x1] =	stream.indirect_vreg.gather [hbm4b:s5+s3], $0x80, v3, vm0, $0xb8;
	[tilespmem:$0x4080] =	vst v63  }
0x30: {  	_ =	swait.ge [sflag:s17], $0x4000  }
0x31: {  	p0 =	sne.s32 s7, $0x1;
	[sflag:s17] =	ssyncset.done $0x0  }
.Ltmp0:
0x32: {  	[sflag:s17] =	ssyncadd.s32 $0xFFFFC000;
	(pc) =	sbr.rel @p0 .LBB2_1-.Ltmp0, $4  }
0x33: {  	[hbm4b:s6+s3] =	stream.linear.scatter [tilespmem:s9], [sflag:$0x2], $0x4000, $0x38;
	[tilespmem:$0x4080] =	vst v63  }
0x34: {  	_ =	swait.ge [sflag:s8], $0x4000  }
0x35: {  	[sflag:s8] =	ssyncset.done $0x0  }
0x36: {  	s7 =	sadd.s32 $0xFFFFFFFF, s7;
	[sflag:s8] =	ssyncadd.s32 $0xFFFFC000  }
0x37: {  	_ =	sfence.sel $0x180000  }
0x38: {  	[bflag:$0x0] =	sbarrier.arrive $0xFFFF  }
0x39: {  	p0 =	sne.s32 s2, $0x0;
	_ =	strace $0x90000050  }
0x3a: {  	s0 =	sadd.s32 @!p0 $0x100000, s0;
	[bflag:$0x2] =	sbarrier.arrive $0xFFFF  }
0x3b: {  	[sflag:s0] =	ssyncadd.tile.s32 @!p0 $0x1;
	_ =	shalt  }
.Lfunc_end2:
_tile_overlayer_lowered:
.L_overlay_start_2:
0x3c: {  	(tag) =	ssettag $0x2  }
0x3d: {  	s0 =	rddreg [dreg:$0x0];
	s2 =	stileid.u32  }
0x3e: {  	s1 =	rddreg [dreg:$0x1];
	p0 =	sne.s32 s2, $0x0  }
0x3f: {  	s3 =	rddreg [dreg:$0x2];
	[bflag:$0x3] =	sbarrier.arrive $0xFFFF;
	s2 =	simm.s32 @!p0 $0x1C02  }
0x40: {  	[timem:s3], [sflag:s2] =	dma.local @!p0 [hbm:s0], s1  }
0x41: {  	s0 =	simm.s32 @!p0 $0x2  }
0x42: {  	_ =	swait.ge @!p0 [sflag:s0], s1  }
0x43: {  	s1 =	ssub.s32 @!p0 $0x0, s1;
	[sflag:s0] =	ssyncset.done @!p0 $0x0  }
0x44: {  	[sflag:s0] =	ssyncadd.s32 @!p0 s1  }
0x45: {  	[bflag:$0x3] =	sbarrier.arrive $0xFFFF  }
0x46: {  	_ =	shalt  }

// kernel: sparse-core-data-format-call.cloned.1.call-start
scs
called_computation_lowered:
.L_overlay_start_0:
0x0: {  	s1 =	sld [smem:$0x3FD9]  }
0x1: {  	s2 =	sld [smem:$0x3FFE];
	_ =	sdelay $0x1  }
0x2: {  	s3 =	srdreg.scid  }
0x3: {  	s0 =	sand.u32 $0x1, s3  }
0x4: {  	s17 =	sshll.u32 s0, $0xA;
	s1 =	sadd.s32 s2, s1  }
0x5: {  	s1 =	sadd.s32 s1, s17  }
0x6: {  	[smem:$0x3FC5] =	sst s1  }
0x7: {  	_ = 	snop  }
0x8: {  	(tm) =	ssettm $0x1  }
0x9: {  	s18 =	sld [smem:$0x3FFB];
	_ =	sdelay $0x3  }
0xa: {  	_ =	strace s18  }
0xb: {  	s1 =	sld [smem:$0x3FFC];
	_ =	sdelay $0x3  }
0xc: {  	_ =	strace s1  }
0xd: {  	s1 =	sld [smem:$0x3FFD];
	_ =	sdelay $0x3  }
0xe: {  	_ =	strace s1  }
0xf: {  	_ =	strace $0x8FFFFFFF  }
0x10: {  	s19 =	sld [smem:$0x3FDB];
	_ =	sdelay $0x1  }
0x11: {  	s20 =	simm.s32 $_scs_section_size  }
0x12: {  	s4 =	simm.s32 $_size__tile_overlayer_lowered;
	s5 =	simm.s32 $_tile_overlayer_lowered  }
0x13: {  	s23 =	simm.s32 $0x1BFF;
	s22 =	sshll.u32 s5, $0x1;
	s1 =	sadd.s32 s20, s19  }
0x14: {  	s6 =	simm.s32 $0x0;
	s21 =	sshll.u32 s4, $0x1;
	s4 =	sadd.s32 s22, s1  }
0x15: {  	[timem:s6], [sflag:s23] =	dma.local [hbm:s4], s21  }
0x16: {  	_ =	swait.ge [sflag:s23], s21  }
0x17: {  	s2 =	ssub.s32 $0x0, s21;
	[sflag:s23] =	ssyncset.done $0x0  }
0x18: {  	[sflag:s23] =	ssyncadd.s32 s2;
	_ =	sdelay $0x1  }
0x19: {  	s24 =	simm.s32 $0x1B8B  }
0x1a: {  	_ =	swait.ge [sflag:s24], $0x1  }
0x1b: {  	[sflag:s24] =	ssyncset.done $0x0  }
0x1c: {  	s26 =	simm.s32 $0x1B8E;
	s25 =	sld [smem:$0x3FFE];
	[sflag:s24] =	ssyncadd.s32 $0xFFFFFFFF  }
0x1d: {  	s27 =	simm.s32 $execute0_lowered;
	[smem:$0x3FD2] =	sst s26  }
0x1e: {  	s4 =	sshll.u32 s27, $0x1;
	_ =	strace $0x80000046;
	[dreg:$0x1] =	wrdreg $0xFFFFFFFF  }
0x1f: {  	s28 =	simm.s32 $_size_execute0_lowered;
	s1 =	sadd.s32 s1, s4;
	[dreg:$0x0] =	wrdreg $0x0  }
0x20: {  	s4 =	sshll.u32 s28, $0x1;
	[dreg:$0x2] =	wrdreg s1  }
0x21: {  	[dreg:$0x3] =	wrdreg s4  }
0x22: {  	[dreg:$0x4] =	wrdreg $0xC0  }
0x23: {  	_ =	task [dreg:s6], $0x5FFFF  }
0x24: {  	[dreg:$0x1] =	wrdreg $0xFFFFFFFF  }
0x25: {  	[dreg:$0x0] =	wrdreg $0x60  }
0x26: {  	[dreg:$0x2] =	wrdreg s25  }
0x27: {  	[dreg:$0x3] =	wrdreg $0x9  }
0x28: {  	_ =	task.clear_ibuf [dreg:s6], $0x4FFFF;
	_ =	strace $0x90000046  }
0x29: {  	s29 =	simm.s32 $0x9;
	_ =	strace $0x80000048  }
0x2a: {  	_ =	swait.ge [sflag:s29], $0x1  }
0x2b: {  	[sflag:s29] =	ssyncadd.s32 $0xFFFFFFFF  }
0x2c: {  	_ =	strace $0x90000048  }
0x2d: {  	_ =	sfence  }
0x2e: {  	s30 =	sld [smem:$0x0];
	_ =	sdelay $0x2  }
0x2f: {  	s31 =	sshll.u32 s3, $0xD;
	s3 =	sshrl.u32 s3, $0x2  }
0x30: {  	s2 =	sand.u32 $0x4000, s31;
	s1 =	sadd.s32 s3, s30  }
0x31: {  	s0 =	sor.u32 s2, s0;
	s1 =	sshll.u32 s1, $0x11  }
0x32: {  	s0 =	sor.u32 s1, s0  }
0x33: {  	s0 =	sadd.s32 $0x8F2B, s0  }
0x34: {  	[sflag:s0] =	ssyncadd.remote.s32 $0x1  }
0x35: {  	_ =	sfence.sel $0xFFFF  }
0x36: {  	[dreg:$0x0] =	wrdreg $0xFFFFFFFF;
	(pc) =	sbr.abs _section_cstart, $3  }
0x37: {  	[dreg:$0x1] =	wrdreg $0xFFFFFFFF  }
0x38: {  	_ =	task.clear_ibuf [dreg:s6], $0x2FFFF;
	_ =	strace $0x9FFFFFFF  }
0x39: {  	(tm) =	ssettm $0x7FFFFFFF  }
tec
execute0_lowered:
.L_overlay_start_1:
0x0: {  	(tag) =	ssettag $0x1  }
0x1: {  	s0 =	srdreg.scid;
	s7 =	rddreg [dreg:$0x0];
	s31 =	simm.s32 $0x2  }
0x2: {  	s14 =	simm.s32 $0x0;
	s13 =	simm.s32 $0x0;
	s1 =	sshll.u32 s0, $0x4  }
0x3: {  	s12 =	simm.s32 $0x0;
	s0 =	stileid.u32;
	s1 =	sand.u32 $0x10, s1  }
0x4: {  	s4 =	sadd.s32 $0x600, s7;
	s2 =	sshll.u32 s0, $0x7;
	s8 =	sor.u32 s0, s1  }
0x5: {  	s1 =	rddreg [dreg:$0x1];
	s2 =	sand.u32 $0x180, s2;
	s3 =	sshll.u32 s8, $0x5  }
0x6: {  	_ =	strace $0x80000047;
	s5 =	ssub.s32 $0x3C00, s2;
	s3 =	sand.u32 $0x380, s3  }
0x7: {  	s6 =	sand.u32 $0x180, s5;
	s11 =	sshrl.u32 s5, $0x9;
	s9 =	ssub.s32 $0x400, s3  }
0x8: {  	p0 =	sne.s32 s6, $0x0;
	s6 =	simm.s32 $0x1;
	s10 =	sand.u32 $0x380, s9  }
0x9: {  	s6 =	simm.s32 @!p0 $0x0;
	p0 =	sne.s32 s10, $0x0;
	s10 =	simm.s32 $0x1  }
.Ltmp0:
0xa: {  	s9 =	sshrl.u32 s9, $0xA;
	s10 =	simm.s32 @!p0 $0x0;
	(pc) =	sbr.rel .LBB1_1-.Ltmp0, $4  }
0xb: {  	s5 =	simm.s32 $0x1;
	s6 =	sadd.s32 s6, s11;
	s9 =	sadd.s32 s10, s9  }
0xc: {  	s7 =	sadd.s32 $0x1E0600, s7;
	[sflag:s5] =	ssyncpa.u1 $0x0;
	s6 =	smul.u32 s6, s9  }
0xd: {  	s8 =	sshll.u32 s8, $0x8;
	[sflag:s31] =	ssyncpa.u1 $0x0;
	s11 =	smov.u32 s2  }
0xe: {  	p0 =	por $0x0, $0x0;
	s10 =	simm.s32 $0x1E000;
	s9 =	sadd.s32 $0x1, s6  }
.LBB1_4:
0xf: {  	s14 =	sshrl.u32 s14, $0x3  }
0x10: {  	s20 =	sshll.u32 s13, $0x3;
	s14 =	smul.u32 $0x1E000, s14  }
0x11: {  	v5 =	vld [tilespmem:s18+$0xFFFFFFD0];
	[tilespmem:s17+$0x2040 ss:$0x81] =	vst.msk $0xffff, v4;
	s20 =	sand.u32 $0xFFFFFC00, s20  }
0x12: {  	v58 =	vld [tilespmem:s18+$0xFFFFFFE0];
	[tilespmem:s17+$0x2850 ss:$0x81] =	vst.msk $0xffff, v3;
	s30 =	sand.u32 $0x7F, s13;
	s14 =	sadd.s32 s20, s14  }
0x13: {  	s19 =	sshra.s32 s19, $0x2;
	v59 =	vld [tilespmem:s18+$0xFFFFFFF0];
	[tilespmem:s17+$0x3060 ss:$0x81] =	vst.msk $0xffff, v2;
	s13 =	sor.u32 s30, s14  }
0x14: {  	v60 =	vld [tilespmem:s18+$0x0];
	[tilespmem:s17+$0x0 ss:$0x81] =	vst.msk $0xffff, v0;
	s16 =	sadd.s32 s19, s16;
	s31 =	smulhi.u32 $0x88888889, s13  }
0x15: {  	v61 =	vld [tilespmem:s18+$0x10];
	[tilespmem:s16+$0x3870 ss:$0x81] =	vst.msk $0xffff, v1  }
0x16: {  	v62 =	vld [tilespmem:s18+$0x20];
	s14 =	smulhi.u32 $0x88888889, s14;
	[tilespmem:s16+$0x810 ss:$0x81] =	vst.msk $0xffff, v5;
	s17 =	sshrl.u32 s31, $0xD  }
0x17: {  	v63 =	vld [tilespmem:s18+$0xFFFFFFC0];
	[tilespmem:s16+$0x1020 ss:$0x81] =	vst.msk $0xffff, v58;
	s17 =	smul.u32 $0x3C00, s17  }
0x18: {  	[tilespmem:s16+$0x1830 ss:$0x81] =	vst.msk $0xffff, v59;
	s14 =	sshrl.u32 s14, $0xD  }
0x19: {  	[tilespmem:s16+$0x2040 ss:$0x81] =	vst.msk $0xffff, v60;
	s14 =	sand.u32 $0x3FF, s14;
	s13 =	ssub.s32 s13, s17  }
0x1a: {  	[tilespmem:s16+$0x2850 ss:$0x81] =	vst.msk $0xffff, v61;
	s14 =	smul.u32 $0x780, s14;
	s17 =	sshrl.u32 s13, $0x3;
	s13 =	sand.u32 $0x7, s13  }
0x1b: {  	[tilespmem:s16+$0x3060 ss:$0x81] =	vst.msk $0xffff, v62;
	s17 =	sadd.s32 s7, s17;
	s13 =	sshll.u32 s13, $0x12  }
0x1c: {  	[tilespmem:s16+$0x0 ss:$0x81] =	vst.msk $0xffff, v63;
	s14 =	sadd.s32 s14, s17;
	s13 =	sor.u32 $0x400, s13  }
0x1d: {  	[hbm4b:s14+s13] =	stream.strided.scatter [tilespmem:s15], [sflag:$0x2], $0x4000, s10, s13, $0x20;
	[tilespmem:$0x10100] =	vst v63  }
.LBB1_5:
0x1e: {  	s15 =	sadd.s32 $0x200, s11  }
0x1f: {  	p2 =	sgt.s32 s15, $0x3BFF  }
0x20: {  	s15 =	smov.u32 @p2 s2;
	p2 =	sne.s32 s12, s9  }
.Ltmp1:
0x21: {  	p1 =	slt.u32 s12, $0x2;
	(pc) =	sbr.rel @!p2 .LBB1_6-.Ltmp1, $4  }
0x22: {  	s14 =	simm.s32 @!p1 $0x2  }
0x23: {  	s16 =	sadd.s32 $0x1, s12;
	s13 =	smov.u32 s11;
	_ =	swait.ge @!p1 [sflag:s14], $0x4000  }
0x24: {  	p0 =	por !p0, !p0;
	s12 =	smov.u32 s16;
	[sflag:s14] =	ssyncset.done @!p1 $0x0  }
0x25: {  	s11 =	smov.u32 s15;
	[sflag:s14] =	ssyncadd.s32 @!p1 $0xFFFFC000;
	s14 =	smov.u32 s3  }
.LBB1_1:
0x26: {  	p1 =	sge.u32 s12, s6  }
0x27: {  	s15 =	sshll.u32 @!p1 s11, $0xA  }
0x28: {  	s15 =	sand.u32 @!p1 $0xFFFFE000, s15  }
0x29: {  	s15 =	sor.u32 @!p1 s8, s15  }
0x2a: {  	s15 =	sshrl.u32 @!p1 s15, $0xA  }
0x2b: {  	s16 =	smulhi.u32 @!p1 $0x444445, s15;
	_ =	sdelay $0x1  }
0x2c: {  	s16 =	sshrl.u32 @!p1 s16, $0x4  }
0x2d: {  	s16 =	smul.u32 @!p1 $0x3C00, s16  }
0x2e: {  	s31 =	sadd.s32 $0xFFFFFFFF, s12;
	s17 =	sxor.u32 @!p1 $0xFFFFFFFF, s12;
	s18 =	sshll.u32 @!p1 s11, $0x4  }
0x2f: {  	s17 =	sshll.u32 @!p1 s17, $0xE;
	s15 =	ssub.s32 @!p1 s15, s16;
	s16 =	sand.u32 @!p1 $0x70, s18  }
0x30: {  	s17 =	sand.u32 @!p1 $0x4000, s17;
	s15 =	sshll.u32 @!p1 s15, $0x7;
	s16 =	sadd.s32 @!p1 s4, s16  }
0x31: {  	s18 =	simm.s32 @!p1 $0x2000;
	s15 =	sadd.s32 @!p1 s15, s16;
	s16 =	simm.s32 @!p1 $0x400  }
0x32: {  	[tilespmem:s17], [sflag:$0x1] =	stream.strided.gather @!p1 [hbm4b:s15+s16], $0x4000, s18, s16, $0x38;
	[tilespmem:$0x10100] =	vst v63  }
0x33: {  	p1 =	sge.u32 s31, s6  }
.Ltmp2:
0x34: {  	_ = 	snop;
	(pc) =	sbr.rel @p1 .LBB1_5-.Ltmp2, $1  }
0x35: {  	_ =	sdelay $0x3  }
0x36: {  	s15 =	simm.s32 $0x1  }
0x37: {  	_ =	swait.ge [sflag:s5], $0x4000;
	s15 =	simm.s32 @!p0 $0x0  }
0x38: {  	[sflag:s5] =	ssyncset.done $0x0;
	s16 =	sshll.u32 s15, $0xE  }
0x39: {  	[sflag:s5] =	ssyncadd.s32 $0xFFFFC000;
	s18 =	sor.u32 $0x40, s16  }
0x3a: {  	s15 =	smul.u32 $0x10200, s15;
	v0 =	vld [tilespmem:s18+$0x30]  }
0x3b: {  	v1 =	vld [tilespmem:s18+$0xFFFFFFD0]  }
0x3c: {  	s15 =	sshrl.u32 s15, $0x2;
	v5 =	vld [tilespmem:s18+$0xFFFFFFE0]  }
0x3d: {  	v6 =	vld [tilespmem:s18+$0xFFFFFFF0];
	s16 =	sor.u32 $0x8000, s15  }
0x3e: {  	s31 =	sand.u32 $0x1, s12;
	v4 =	vld [tilespmem:s18+$0x0];
	s17 =	sadd.s32 $0x0, s16  }
0x3f: {  	v3 =	vld [tilespmem:s18+$0x10];
	s15 =	smul.u32 $0x10200, s31;
	[tilespmem:s17+$0x3870 ss:$0x81] =	vst.msk $0xffff, v0  }
0x40: {  	v2 =	vld [tilespmem:s18+$0x20];
	[tilespmem:s17+$0x810 ss:$0x81] =	vst.msk $0xffff, v1  }
0x41: {  	s15 =	sshrl.u32 s15, $0x2;
	v0 =	vld [tilespmem:s18+$0xFFFFFFC0];
	[tilespmem:s17+$0x1020 ss:$0x81] =	vst.msk $0xffff, v5;
	s18 =	sadd.s32 $0x80, s18  }
0x42: {  	s19 =	simm.s32 $0x4;
	s20 =	simm.s32 $0x8;
	s15 =	sor.u32 $0x8000, s15;
	[tilespmem:s17+$0x1830 ss:$0x81] =	vst.msk $0xffff, v6;
	v1 =	vld [tilespmem:s18+$0x30]  }
.LBB1_3:
0x43: {  	p1 =	sne.s32 s20, $0x1FC;
	v5 =	vld [tilespmem:s18+$0xFFFFFFD0];
	[tilespmem:s17+$0x2040 ss:$0x81] =	vst.msk $0xffff, v4  }
0x44: {  	v6 =	vld [tilespmem:s18+$0xFFFFFFE0];
	[tilespmem:s17+$0x2850 ss:$0x81] =	vst.msk $0xffff, v3  }
0x45: {  	s21 =	sshra.s32 s19, $0x2;
	s19 =	smov.u32 s20;
	v7 =	vld [tilespmem:s18+$0xFFFFFFF0];
	[tilespmem:s17+$0x3060 ss:$0x81] =	vst.msk $0xffff, v2  }
.Ltmp3:
0x46: {  	v4 =	vld [tilespmem:s18+$0x0];
	[tilespmem:s17+$0x0 ss:$0x81] =	vst.msk $0xffff, v0;
	s17 =	sadd.s32 s21, s16;
	(pc) =	sbr.rel @p1 .LBB1_3-.Ltmp3, $4  }
0x47: {  	v3 =	vld [tilespmem:s18+$0x10];
	[tilespmem:s17+$0x3870 ss:$0x81] =	vst.msk $0xffff, v1  }
0x48: {  	[tilespmem:s17+$0x810 ss:$0x81] =	vst.msk $0xffff, v5;
	v2 =	vld [tilespmem:s18+$0x20]  }
0x49: {  	v0 =	vld [tilespmem:s18+$0xFFFFFFC0];
	[tilespmem:s17+$0x1020 ss:$0x81] =	vst.msk $0xffff, v6;
	s18 =	sadd.s32 $0x80, s18  }
0x4a: {  	s20 =	sadd.s32 $0x4, s20;
	v1 =	vld [tilespmem:s18+$0x30];
	[tilespmem:s17+$0x1830 ss:$0x81] =	vst.msk $0xffff, v7  }
.Ltmp4:
0x4b: {  	_ = 	snop;
	(pc) =	sbr.rel .LBB1_4-.Ltmp4, $1  }
0x4c: {  	_ =	sdelay $0x3  }
.LBB1_6:
0x4d: {  	_ =	sfence.sel $0x180000  }
0x4e: {  	s2 =	simm.s32 $0x1;
	[bflag:$0x0] =	sbarrier.arrive $0xFFFF  }
0x4f: {  	s31 =	simm.s32 $0x2;
	[sflag:s2] =	ssyncpa.u1 $0x1  }
0x50: {  	[sflag:s31] =	ssyncpa.u1 $0x1  }
0x51: {  	p0 =	sne.s32 s0, $0x0;
	_ =	strace $0x90000047  }
0x52: {  	s0 =	sadd.s32 @!p0 $0x100000, s1;
	[bflag:$0x2] =	sbarrier.arrive $0xFFFF  }
0x53: {  	[sflag:s0] =	ssyncadd.tile.s32 @!p0 $0x1;
	_ =	shalt  }
.Lfunc_end1:
_tile_overlayer_lowered:
.L_overlay_start_2:
0x54: {  	(tag) =	ssettag $0x2  }
0x55: {  	s0 =	rddreg [dreg:$0x0];
	s2 =	stileid.u32  }
0x56: {  	s1 =	rddreg [dreg:$0x1];
	p0 =	sne.s32 s2, $0x0  }
0x57: {  	s3 =	rddreg [dreg:$0x2];
	[bflag:$0x3] =	sbarrier.arrive $0xFFFF;
	s2 =	simm.s32 @!p0 $0x1C01  }
0x58: {  	[timem:s3], [sflag:s2] =	dma.local @!p0 [hbm:s0], s1  }
0x59: {  	s0 =	simm.s32 @!p0 $0x1  }
0x5a: {  	_ =	swait.ge @!p0 [sflag:s0], s1  }
0x5b: {  	s1 =	ssub.s32 @!p0 $0x0, s1;
	[sflag:s0] =	ssyncset.done @!p0 $0x0  }
0x5c: {  	[sflag:s0] =	ssyncadd.s32 @!p0 s1  }
0x5d: {  	[bflag:$0x3] =	sbarrier.arrive $0xFFFF  }
0x5e: {  	_ =	shalt  }

</sc_bundles>
